<compile_context>
chip_gen: v7x
topology: tpu7x:2x2x1
jax: 0.10.2.dev20260603
libtpu: 0.0.44.dev20260713+nightly
codegen_flags: <defaults>
</compile_context>

<pallas_src>
import functools

import jax
import jax.numpy as jnp
from jax import lax
from jax.experimental import pallas as pl
from jax.experimental.pallas import tpu as pltpu
from jax.experimental.pallas import tpu_sc as plsc

_VOCAB = 1000000
_D = 64
_B = 4096
_L = 60
_Q = 50

_NC = 2
_NS = 16
_NW = _NC * _NS
_TOTAL = _B * _Q
_PPT = _TOTAL // _NS
_CPC = _D // _NC
_MASK_W = _TOTAL // _NW

_mesh = plsc.VectorSubcoreMesh(
    core_axis_name="c", subcore_axis_name="s", num_cores=_NC, num_subcores=_NS
)


def _emb_body(tab_hbm, idx_hbm, types_hbm, out_hbm, mask_hbm,
              idx_v, types_v, mask_v, buf, spm, sem_g, sem_s):
  sid = lax.axis_index("s")
  cid = lax.axis_index("c")
  wid = sid * _NC + cid
  base = cid * _CPC

  q0_a = sid * 3
  q0_b = 42 + (sid - 14) * 4

  @pl.when(sid < 14)
  def _():
    pltpu.sync_copy(idx_hbm.at[pl.ds(q0_a * _B, 3 * _B)],
                    idx_v.at[pl.ds(0, 3 * _B)])

  @pl.when(sid >= 14)
  def _():
    pltpu.sync_copy(idx_hbm.at[pl.ds(q0_b * _B, 4 * _B)],
                    idx_v.at[pl.ds(0, 4 * _B)])

  @pl.when(sid == 0)
  def _():
    pltpu.async_copy(tab_hbm.at[base], spm, sem_s)

  pltpu.sync_copy(
      types_hbm.at[pl.ds((_L - _Q) * _B + wid * _MASK_W, _MASK_W)], types_v)
  v_two = jnp.full((16,), 2, jnp.int32)
  v_one = jnp.full((16,), 1.0, jnp.float32)
  v_zero = jnp.full((16,), 0.0, jnp.float32)

  def mask_step(i, carry):
    for j in range(4):
      m0 = (i * 4 + j) * 16
      t = types_v[pl.ds(m0, 16)]
      mask_v[pl.ds(m0, 16)] = jnp.where(t == v_two, v_one, v_zero)
    return carry

  lax.fori_loop(0, _MASK_W // 64, mask_step, 0)
  pltpu.sync_copy(mask_v, mask_hbm.at[pl.ds(wid * _MASK_W, _MASK_W)])

  def col_step(c, carry):
    row = base + c

    @pl.when(sid == 0)
    def _():
      pltpu.make_async_copy(tab_hbm.at[row], spm, sem_s).wait()

    plsc.subcore_barrier()

    @pl.when(sid < 14)
    def _():
      pltpu.async_copy(spm.at[idx_v.at[pl.ds(0, 3 * _B)]],
                       buf.at[pl.ds(0, 3 * _B)], sem_g).wait()
      for k in range(3):
        pltpu.sync_copy(buf.at[pl.ds(k * _B, _B)],
                        out_hbm.at[q0_a + k].at[row])

    @pl.when(sid >= 14)
    def _():
      pltpu.async_copy(spm.at[idx_v.at[pl.ds(0, 4 * _B)]],
                       buf.at[pl.ds(0, 4 * _B)], sem_g).wait()
      for k in range(4):
        pltpu.sync_copy(buf.at[pl.ds(k * _B, _B)],
                        out_hbm.at[q0_b + k].at[row])

    plsc.subcore_barrier()

    @pl.when((sid == 0) & (c < _CPC - 1))
    def _():
      pltpu.async_copy(tab_hbm.at[row + 1], spm, sem_s)
    return carry

  lax.fori_loop(0, _CPC, col_step, 0)


_emb_call = functools.partial(
    pl.kernel,
    out_type=[
        jax.ShapeDtypeStruct((_Q, _D, _B), jnp.float32),
        jax.ShapeDtypeStruct((_TOTAL,), jnp.float32),
    ],
    mesh=_mesh,
    scratch_types=[
        pltpu.VMEM((4 * _B,), jnp.int32),
        pltpu.VMEM((_MASK_W,), jnp.int32),
        pltpu.VMEM((_MASK_W,), jnp.float32),
        pltpu.VMEM((4 * _B,), jnp.float32),
        pltpu.VMEM_SHARED((_VOCAB,), jnp.float32),
        pltpu.SemaphoreType.DMA,
        pltpu.SemaphoreType.DMA,
    ],
)(_emb_body)


def kernel(positions, types, object_positions, object_colors, object_shapes,
           object_materials, object_sizes, question, question_embeddings):
  tab_t = question_embeddings.T
  idx_flat = question.T.reshape(-1)
  types_flat = types.T.reshape(-1)
  out4, mask = _emb_call(tab_t, idx_flat, types_flat)
  return (
      out4.transpose(2, 0, 1),
      mask.reshape(_Q, _B).T.reshape(_B, 1, 1, _Q),
  )

# --- scband reference (transcript-rebuilt; emitter-appended) ---
"""Pipeline reference for scband-question-only-embedder-62843961475783 (READ-ONLY COPY).

The authoritative reference and input builder live on the scoring server;
editing this copy changes nothing except your own understanding.
"""

import jax, jax.numpy as jnp
import numpy as np

VOCAB = 1000000
EMBED_DIM = 64
B = 4096
L = 60
Q = 50

def setup_inputs(seed: int = 0) -> dict:
    key = jax.random.key(seed)
    k1, k2, k3, k4, k5, k6, k7, k8, k9 = jax.random.split(key, 9)
    positions = jax.random.randint(k1, (B, L), 0, L, dtype=jnp.int64 if jax.config.jax_enable_x64 else jnp.int32).astype(jnp.int32)
    types = jax.random.randint(k2, (B, L), 0, 3).astype(jnp.int32)
    object_positions = jax.random.normal(k3, (B, 10, 3), dtype=jnp.float32)
    object_colors = jax.random.randint(k4, (B, 10), 0, 8).astype(jnp.int32)
    object_shapes = jax.random.randint(k5, (B, 10), 0, 4).astype(jnp.int32)
    object_materials = jax.random.randint(k6, (B, 10), 0, 3).astype(jnp.int32)
    object_sizes = jax.random.randint(k7, (B, 10), 0, 3).astype(jnp.int32)
    question = jax.random.randint(k8, (B, Q), 0, VOCAB).astype(jnp.int32)
    question_embeddings = jax.random.normal(k9, (VOCAB, EMBED_DIM), dtype=jnp.float32) * 0.02
    # padding_idx=0: row 0 is zeros
    question_embeddings = question_embeddings.at[0].set(0.0)
    return {
        "positions": positions,
        "types": types,
        "object_positions": object_positions,
        "object_colors": object_colors,
        "object_shapes": object_shapes,
        "object_materials": object_materials,
        "object_sizes": object_sizes,
        "question": question,
        "question_embeddings": question_embeddings,
    }

def reference(positions, types, object_positions, object_colors, object_shapes, object_materials, object_sizes, question, question_embeddings):
    # question_mask = (types == 2) * 1.0
    question_mask = (types == 2).astype(jnp.float32)
    question_mask = question_mask[:, 10:]
    question_mask = question_mask[:, None, None, :]  # unsqueeze(1).unsqueeze(2)
    # embedding lookup (padding_idx=0 row is zero in the table)
    questions = jnp.take(question_embeddings, question, axis=0)
    return (questions, question_mask)

if __name__ == "__main__":
    import jax
    _d = setup_inputs()
    print(jax.jit(kernel)(*tuple(_d.values())))

</pallas_src>

<mosaic_0001>
#map = affine_map<(d0, d1) -> (0, 0)>
#map1 = affine_map<(d0, d1) -> (0)>
#map2 = affine_map<(d0, d1) -> (0, 0, 0)>
module attributes {stable_mosaic.version = 14 : i64} {
  func.func @_emb_body(%arg0: i32, %arg1: i32, %arg2: memref<64x1000000xf32, #tpu.memory_space<hbm>>, %arg3: memref<204800xi32, #tpu.memory_space<hbm>>, %arg4: memref<245760xi32, #tpu.memory_space<hbm>>, %arg5: memref<50x64x4096xf32, #tpu.memory_space<hbm>>, %arg6: memref<204800xf32, #tpu.memory_space<hbm>>, %arg7: memref<16384xi32, #tpu.memory_space<vmem>>, %arg8: memref<6400xi32, #tpu.memory_space<vmem>>, %arg9: memref<6400xf32, #tpu.memory_space<vmem>>, %arg10: memref<16384xf32, #tpu.memory_space<vmem>>, %arg11: memref<1000000xf32, #tpu.memory_space<vmem_shared>>, %arg12: memref<!tpu.dma_semaphore, #tpu.memory_space<semaphore_mem>>, %arg13: memref<!tpu.dma_semaphore, #tpu.memory_space<semaphore_mem>>) attributes {dimension_semantics = [#tpu.dimension_semantics<core_parallel>, #tpu.dimension_semantics<subcore_parallel>], iteration_bounds = array<i64: 2, 16>, scalar_prefetch = 0 : i64, scratch_operands = 7 : i64, tpu.core_type = #tpu.core_type<sc_vector_subcore>, window_params = [{transform_indices = #map}, {transform_indices = #map1}, {transform_indices = #map1}, {transform_indices = #map2}, {transform_indices = #map1}]} {
    %mul3A = arith.constant 2 : i32
    %mul3A_0 = arith.muli %arg1, %mul3A : i32
    %add3A = arith.addi %mul3A_0, %arg0 : i32
    %mul3A_1 = arith.constant 32 : i32
    %mul3A_2 = arith.muli %arg0, %mul3A_1 : i32
    %mul3A_3 = arith.constant 3 : i32
    %mul3A_4 = arith.muli %arg1, %mul3A_3 : i32
    %sub3A = arith.constant 14 : i32
    %sub3A_5 = arith.subi %arg1, %sub3A : i32
    %mul3A_6 = arith.constant 4 : i32
    %mul3A_7 = arith.muli %sub3A_5, %mul3A_6 : i32
    %add3A_8 = arith.constant 42 : i32
    %add3A_9 = arith.addi %add3A_8, %mul3A_7 : i32
    %lt3A = arith.constant 14 : i32
    %lt3A_10 = arith.cmpi slt, %arg1, %lt3A : i32
    %convert_element_type3A = arith.extui %lt3A_10 : i1 to i32
    %cond3A = arith.constant 0 : i32
    %cond3A_11 = arith.cmpi ne, %convert_element_type3A, %cond3A : i32
    scf.if %cond3A_11 {
      %mul3A_42 = arith.constant 4096 : i32
      %mul3A_43 = arith.muli %mul3A_4, %mul3A_42 : i32
      "tpu.region"() ({
        %run_scoped3A = tpu.sem_alloc : memref<!tpu.dma_semaphore, #tpu.memory_space<semaphore_mem>>
        %dma_start3A = arith.constant 0 : i32
        %dma_start3A_44 = tpu.memref_slice %arg7[%dma_start3A] : memref<16384xi32, #tpu.memory_space<vmem>> -> memref<12288xi32, #tpu.memory_space<vmem>>
        %dma_start3A_45 = tpu.memref_slice %arg3[%mul3A_43] : memref<204800xi32, #tpu.memory_space<hbm>> -> memref<12288xi32, #tpu.memory_space<hbm>>
        %dma_start3A_46 = arith.constant 0 : i32
        %dma_start3A_47 = tpu.memref_slice %arg7[%dma_start3A_46] : memref<16384xi32, #tpu.memory_space<vmem>> -> memref<12288xi32, #tpu.memory_space<vmem>>
        %dma_start3A_48 = tpu.memref_slice %arg3[%mul3A_43] : memref<204800xi32, #tpu.memory_space<hbm>> -> memref<12288xi32, #tpu.memory_space<hbm>>
        tpu.enqueue_dma source(%dma_start3A_48 : memref<12288xi32, #tpu.memory_space<hbm>>) target(%dma_start3A_47 : memref<12288xi32, #tpu.memory_space<vmem>>) target_semaphore(%run_scoped3A : memref<!tpu.dma_semaphore, #tpu.memory_space<semaphore_mem>>)
        %dma_wait3A = arith.constant 0 : i32
        %dma_wait3A_49 = tpu.memref_slice %arg7[%dma_wait3A] : memref<16384xi32, #tpu.memory_space<vmem>> -> memref<12288xi32, #tpu.memory_space<vmem>>
        %dma_wait3A_50 = tpu.memref_slice %arg3[%mul3A_43] : memref<204800xi32, #tpu.memory_space<hbm>> -> memref<12288xi32, #tpu.memory_space<hbm>>
        %dma_wait3A_51 = arith.constant 0 : i32
        %dma_wait3A_52 = tpu.memref_slice %arg7[%dma_wait3A_51] : memref<16384xi32, #tpu.memory_space<vmem>> -> memref<12288xi32, #tpu.memory_space<vmem>>
        %dma_wait3A_53 = tpu.memref_slice %arg3[%mul3A_43] : memref<204800xi32, #tpu.memory_space<hbm>> -> memref<12288xi32, #tpu.memory_space<hbm>>
        tpu.wait_dma2 semaphore(%run_scoped3A : memref<!tpu.dma_semaphore, #tpu.memory_space<semaphore_mem>>) src(%dma_wait3A_53 : memref<12288xi32, #tpu.memory_space<hbm>>) dst(%dma_wait3A_52 : memref<12288xi32, #tpu.memory_space<vmem>>)
        tpu.yield
      }) : () -> ()
    } else {
    }
    %ge3A = arith.constant 14 : i32
    %ge3A_12 = arith.cmpi sge, %arg1, %ge3A : i32
    %convert_element_type3A_13 = arith.extui %ge3A_12 : i1 to i32
    %cond3A_14 = arith.constant 0 : i32
    %cond3A_15 = arith.cmpi ne, %convert_element_type3A_13, %cond3A_14 : i32
    scf.if %cond3A_15 {
      %mul3A_42 = arith.constant 4096 : i32
      %mul3A_43 = arith.muli %add3A_9, %mul3A_42 : i32
      "tpu.region"() ({
        %run_scoped3A = tpu.sem_alloc : memref<!tpu.dma_semaphore, #tpu.memory_space<semaphore_mem>>
        %dma_start3A = arith.constant 0 : i32
        %dma_start3A_44 = tpu.memref_slice %arg7[%dma_start3A] : memref<16384xi32, #tpu.memory_space<vmem>> -> memref<16384xi32, #tpu.memory_space<vmem>>
        %dma_start3A_45 = tpu.memref_slice %arg3[%mul3A_43] : memref<204800xi32, #tpu.memory_space<hbm>> -> memref<16384xi32, #tpu.memory_space<hbm>>
        %dma_start3A_46 = arith.constant 0 : i32
        %dma_start3A_47 = tpu.memref_slice %arg7[%dma_start3A_46] : memref<16384xi32, #tpu.memory_space<vmem>> -> memref<16384xi32, #tpu.memory_space<vmem>>
        %dma_start3A_48 = tpu.memref_slice %arg3[%mul3A_43] : memref<204800xi32, #tpu.memory_space<hbm>> -> memref<16384xi32, #tpu.memory_space<hbm>>
        tpu.enqueue_dma source(%dma_start3A_48 : memref<16384xi32, #tpu.memory_space<hbm>>) target(%dma_start3A_47 : memref<16384xi32, #tpu.memory_space<vmem>>) target_semaphore(%run_scoped3A : memref<!tpu.dma_semaphore, #tpu.memory_space<semaphore_mem>>)
        %dma_wait3A = arith.constant 0 : i32
        %dma_wait3A_49 = tpu.memref_slice %arg7[%dma_wait3A] : memref<16384xi32, #tpu.memory_space<vmem>> -> memref<16384xi32, #tpu.memory_space<vmem>>
        %dma_wait3A_50 = tpu.memref_slice %arg3[%mul3A_43] : memref<204800xi32, #tpu.memory_space<hbm>> -> memref<16384xi32, #tpu.memory_space<hbm>>
        %dma_wait3A_51 = arith.constant 0 : i32
        %dma_wait3A_52 = tpu.memref_slice %arg7[%dma_wait3A_51] : memref<16384xi32, #tpu.memory_space<vmem>> -> memref<16384xi32, #tpu.memory_space<vmem>>
        %dma_wait3A_53 = tpu.memref_slice %arg3[%mul3A_43] : memref<204800xi32, #tpu.memory_space<hbm>> -> memref<16384xi32, #tpu.memory_space<hbm>>
        tpu.wait_dma2 semaphore(%run_scoped3A : memref<!tpu.dma_semaphore, #tpu.memory_space<semaphore_mem>>) src(%dma_wait3A_53 : memref<16384xi32, #tpu.memory_space<hbm>>) dst(%dma_wait3A_52 : memref<16384xi32, #tpu.memory_space<vmem>>)
        tpu.yield
      }) : () -> ()
    } else {
    }
    %eq3A = arith.constant 0 : i32
    %eq3A_16 = arith.cmpi eq, %arg1, %eq3A : i32
    %convert_element_type3A_17 = arith.extui %eq3A_16 : i1 to i32
    %cond3A_18 = arith.constant 0 : i32
    %cond3A_19 = arith.cmpi ne, %convert_element_type3A_17, %cond3A_18 : i32
    scf.if %cond3A_19 {
      %dma_start3A = arith.constant 0 : i32
      %dma_start3A_42 = tpu.memref_slice %arg2[%mul3A_2, %dma_start3A] : memref<64x1000000xf32, #tpu.memory_space<hbm>> -> memref<1x1000000xf32, #tpu.memory_space<hbm>>
      %dma_start3A_43 = tpu.memref_squeeze %dma_start3A_42 : memref<1x1000000xf32, #tpu.memory_space<hbm>> -> memref<1000000xf32, #tpu.memory_space<hbm>>
      tpu.enqueue_dma source(%dma_start3A_43 : memref<1000000xf32, #tpu.memory_space<hbm>>) target(%arg11 : memref<1000000xf32, #tpu.memory_space<vmem_shared>>) target_semaphore(%arg13 : memref<!tpu.dma_semaphore, #tpu.memory_space<semaphore_mem>>)
    } else {
    }
    %mul3A_20 = arith.constant 6400 : i32
    %mul3A_21 = arith.muli %add3A, %mul3A_20 : i32
    %add3A_22 = arith.constant 40960 : i32
    %add3A_23 = arith.addi %add3A_22, %mul3A_21 : i32
    "tpu.region"() ({
      %run_scoped3A = tpu.sem_alloc : memref<!tpu.dma_semaphore, #tpu.memory_space<semaphore_mem>>
      %dma_start3A = tpu.memref_slice %arg4[%add3A_23] : memref<245760xi32, #tpu.memory_space<hbm>> -> memref<6400xi32, #tpu.memory_space<hbm>>
      %dma_start3A_42 = tpu.memref_slice %arg4[%add3A_23] : memref<245760xi32, #tpu.memory_space<hbm>> -> memref<6400xi32, #tpu.memory_space<hbm>>
      tpu.enqueue_dma source(%dma_start3A_42 : memref<6400xi32, #tpu.memory_space<hbm>>) target(%arg8 : memref<6400xi32, #tpu.memory_space<vmem>>) target_semaphore(%run_scoped3A : memref<!tpu.dma_semaphore, #tpu.memory_space<semaphore_mem>>)
      %dma_wait3A = tpu.memref_slice %arg4[%add3A_23] : memref<245760xi32, #tpu.memory_space<hbm>> -> memref<6400xi32, #tpu.memory_space<hbm>>
      %dma_wait3A_43 = tpu.memref_slice %arg4[%add3A_23] : memref<245760xi32, #tpu.memory_space<hbm>> -> memref<6400xi32, #tpu.memory_space<hbm>>
      tpu.wait_dma2 semaphore(%run_scoped3A : memref<!tpu.dma_semaphore, #tpu.memory_space<semaphore_mem>>) src(%dma_wait3A_43 : memref<6400xi32, #tpu.memory_space<hbm>>) dst(%arg8 : memref<6400xi32, #tpu.memory_space<vmem>>)
      tpu.yield
    }) : () -> ()
    %broadcast_in_dim3A = arith.constant 2 : i32
    %broadcast_in_dim3A_24 = vector.broadcast %broadcast_in_dim3A : i32 to vector<16xi32>
    %broadcast_in_dim3A_25 = arith.constant 1.000000e+00 : f32
    %broadcast_in_dim3A_26 = vector.broadcast %broadcast_in_dim3A_25 : f32 to vector<16xf32>
    %broadcast_in_dim3A_27 = arith.constant 0.000000e+00 : f32
    %broadcast_in_dim3A_28 = vector.broadcast %broadcast_in_dim3A_27 : f32 to vector<16xf32>
    %scan3A = arith.constant 0 : i32
    %scan3A_29 = arith.constant 0 : i32
    %scan3A_30 = arith.constant 100 : i32
    %scan3A_31 = arith.addi %scan3A_29, %scan3A_30 : i32
    %scan3A_32 = arith.constant 1 : i32
    scf.for %scan3A_42 = %scan3A_29 to %scan3A_31 step %scan3A_32  : i32 {
      %mul3A_43 = arith.constant 4 : i32
      %mul3A_44 = arith.muli %scan3A_42, %mul3A_43 : i32
      %add3A_45 = arith.constant 0 : i32
      %add3A_46 = arith.addi %mul3A_44, %add3A_45 : i32
      %mul3A_47 = arith.constant 16 : i32
      %mul3A_48 = arith.muli %add3A_46, %mul3A_47 : i32
      %get3A = arith.index_cast %mul3A_48 : i32 to index
      %get3A_49 = tpu.vector_load %arg8[%get3A] {strides = array<i32>} : memref<6400xi32, #tpu.memory_space<vmem>>, vector<16xi32>,
      %get3A_50 = vector.shape_cast %get3A_49 : vector<16xi32> to vector<16xi32>
      %eq3A_51 = arith.cmpi eq, %get3A_50, %broadcast_in_dim3A_24 : vector<16xi32>
      %select_n3A = arith.select %eq3A_51, %broadcast_in_dim3A_26, %broadcast_in_dim3A_28 : vector<16xi1>, vector<16xf32>
      %swap3A = arith.index_cast %mul3A_48 : i32 to index
      %swap3A_52 = tpu.vector_load %arg9[%swap3A] {strides = array<i32>} : memref<6400xf32, #tpu.memory_space<vmem>>, vector<16xf32>,
      %swap3A_53 = vector.shape_cast %swap3A_52 : vector<16xf32> to vector<16xf32>
      %swap3A_54 = vector.shape_cast %select_n3A : vector<16xf32> to vector<16xf32>
      tpu.vector_store %arg9[%swap3A], %swap3A_54 {strides = array<i32>} : memref<6400xf32, #tpu.memory_space<vmem>>, vector<16xf32>,
      %mul3A_55 = arith.constant 4 : i32
      %mul3A_56 = arith.muli %scan3A_42, %mul3A_55 : i32
      %add3A_57 = arith.constant 1 : i32
      %add3A_58 = arith.addi %mul3A_56, %add3A_57 : i32
      %mul3A_59 = arith.constant 16 : i32
      %mul3A_60 = arith.muli %add3A_58, %mul3A_59 : i32
      %get3A_61 = arith.index_cast %mul3A_60 : i32 to index
      %get3A_62 = tpu.vector_load %arg8[%get3A_61] {strides = array<i32>} : memref<6400xi32, #tpu.memory_space<vmem>>, vector<16xi32>,
      %get3A_63 = vector.shape_cast %get3A_62 : vector<16xi32> to vector<16xi32>
      %eq3A_64 = arith.cmpi eq, %get3A_63, %broadcast_in_dim3A_24 : vector<16xi32>
      %select_n3A_65 = arith.select %eq3A_64, %broadcast_in_dim3A_26, %broadcast_in_dim3A_28 : vector<16xi1>, vector<16xf32>
      %swap3A_66 = arith.index_cast %mul3A_60 : i32 to index
      %swap3A_67 = tpu.vector_load %arg9[%swap3A_66] {strides = array<i32>} : memref<6400xf32, #tpu.memory_space<vmem>>, vector<16xf32>,
      %swap3A_68 = vector.shape_cast %swap3A_67 : vector<16xf32> to vector<16xf32>
      %swap3A_69 = vector.shape_cast %select_n3A_65 : vector<16xf32> to vector<16xf32>
      tpu.vector_store %arg9[%swap3A_66], %swap3A_69 {strides = array<i32>} : memref<6400xf32, #tpu.memory_space<vmem>>, vector<16xf32>,
      %mul3A_70 = arith.constant 4 : i32
      %mul3A_71 = arith.muli %scan3A_42, %mul3A_70 : i32
      %add3A_72 = arith.constant 2 : i32
      %add3A_73 = arith.addi %mul3A_71, %add3A_72 : i32
      %mul3A_74 = arith.constant 16 : i32
      %mul3A_75 = arith.muli %add3A_73, %mul3A_74 : i32
      %get3A_76 = arith.index_cast %mul3A_75 : i32 to index
      %get3A_77 = tpu.vector_load %arg8[%get3A_76] {strides = array<i32>} : memref<6400xi32, #tpu.memory_space<vmem>>, vector<16xi32>,
      %get3A_78 = vector.shape_cast %get3A_77 : vector<16xi32> to vector<16xi32>
      %eq3A_79 = arith.cmpi eq, %get3A_78, %broadcast_in_dim3A_24 : vector<16xi32>
      %select_n3A_80 = arith.select %eq3A_79, %broadcast_in_dim3A_26, %broadcast_in_dim3A_28 : vector<16xi1>, vector<16xf32>
      %swap3A_81 = arith.index_cast %mul3A_75 : i32 to index
      %swap3A_82 = tpu.vector_load %arg9[%swap3A_81] {strides = array<i32>} : memref<6400xf32, #tpu.memory_space<vmem>>, vector<16xf32>,
      %swap3A_83 = vector.shape_cast %swap3A_82 : vector<16xf32> to vector<16xf32>
      %swap3A_84 = vector.shape_cast %select_n3A_80 : vector<16xf32> to vector<16xf32>
      tpu.vector_store %arg9[%swap3A_81], %swap3A_84 {strides = array<i32>} : memref<6400xf32, #tpu.memory_space<vmem>>, vector<16xf32>,
      %mul3A_85 = arith.constant 4 : i32
      %mul3A_86 = arith.muli %scan3A_42, %mul3A_85 : i32
      %add3A_87 = arith.constant 3 : i32
      %add3A_88 = arith.addi %mul3A_86, %add3A_87 : i32
      %mul3A_89 = arith.constant 16 : i32
      %mul3A_90 = arith.muli %add3A_88, %mul3A_89 : i32
      %get3A_91 = arith.index_cast %mul3A_90 : i32 to index
      %get3A_92 = tpu.vector_load %arg8[%get3A_91] {strides = array<i32>} : memref<6400xi32, #tpu.memory_space<vmem>>, vector<16xi32>,
      %get3A_93 = vector.shape_cast %get3A_92 : vector<16xi32> to vector<16xi32>
      %eq3A_94 = arith.cmpi eq, %get3A_93, %broadcast_in_dim3A_24 : vector<16xi32>
      %select_n3A_95 = arith.select %eq3A_94, %broadcast_in_dim3A_26, %broadcast_in_dim3A_28 : vector<16xi1>, vector<16xf32>
      %swap3A_96 = arith.index_cast %mul3A_90 : i32 to index
      %swap3A_97 = tpu.vector_load %arg9[%swap3A_96] {strides = array<i32>} : memref<6400xf32, #tpu.memory_space<vmem>>, vector<16xf32>,
      %swap3A_98 = vector.shape_cast %swap3A_97 : vector<16xf32> to vector<16xf32>
      %swap3A_99 = vector.shape_cast %select_n3A_95 : vector<16xf32> to vector<16xf32>
      tpu.vector_store %arg9[%swap3A_96], %swap3A_99 {strides = array<i32>} : memref<6400xf32, #tpu.memory_space<vmem>>, vector<16xf32>,
    }
    %scan3A_33 = arith.constant 100 : i32
    %mul3A_34 = arith.constant 6400 : i32
    %mul3A_35 = arith.muli %add3A, %mul3A_34 : i32
    "tpu.region"() ({
      %run_scoped3A = tpu.sem_alloc : memref<!tpu.dma_semaphore, #tpu.memory_space<semaphore_mem>>
      %dma_start3A = tpu.memref_slice %arg6[%mul3A_35] : memref<204800xf32, #tpu.memory_space<hbm>> -> memref<6400xf32, #tpu.memory_space<hbm>>
      %dma_start3A_42 = tpu.memref_slice %arg6[%mul3A_35] : memref<204800xf32, #tpu.memory_space<hbm>> -> memref<6400xf32, #tpu.memory_space<hbm>>
      tpu.enqueue_dma source(%arg9 : memref<6400xf32, #tpu.memory_space<vmem>>) target(%dma_start3A_42 : memref<6400xf32, #tpu.memory_space<hbm>>) target_semaphore(%run_scoped3A : memref<!tpu.dma_semaphore, #tpu.memory_space<semaphore_mem>>)
      %dma_wait3A = tpu.memref_slice %arg6[%mul3A_35] : memref<204800xf32, #tpu.memory_space<hbm>> -> memref<6400xf32, #tpu.memory_space<hbm>>
      %dma_wait3A_43 = tpu.memref_slice %arg6[%mul3A_35] : memref<204800xf32, #tpu.memory_space<hbm>> -> memref<6400xf32, #tpu.memory_space<hbm>>
      tpu.wait_dma2 semaphore(%run_scoped3A : memref<!tpu.dma_semaphore, #tpu.memory_space<semaphore_mem>>) src(%arg9 : memref<6400xf32, #tpu.memory_space<vmem>>) dst(%dma_wait3A_43 : memref<6400xf32, #tpu.memory_space<hbm>>)
      tpu.yield
    }) : () -> ()
    %scan3A_36 = arith.constant 0 : i32
    %scan3A_37 = arith.constant 0 : i32
    %scan3A_38 = arith.constant 32 : i32
    %scan3A_39 = arith.addi %scan3A_37, %scan3A_38 : i32
    %scan3A_40 = arith.constant 1 : i32
    scf.for %scan3A_42 = %scan3A_37 to %scan3A_39 step %scan3A_40  : i32 {
      %add3A_43 = arith.addi %mul3A_2, %scan3A_42 : i32
      %eq3A_44 = arith.constant 0 : i32
      %eq3A_45 = arith.cmpi eq, %arg1, %eq3A_44 : i32
      %convert_element_type3A_46 = arith.extui %eq3A_45 : i1 to i32
      %cond3A_47 = arith.constant 0 : i32
      %cond3A_48 = arith.cmpi ne, %convert_element_type3A_46, %cond3A_47 : i32
      scf.if %cond3A_48 {
        %dma_wait3A = arith.constant 0 : i32
        %dma_wait3A_67 = tpu.memref_slice %arg2[%add3A_43, %dma_wait3A] : memref<64x1000000xf32, #tpu.memory_space<hbm>> -> memref<1x1000000xf32, #tpu.memory_space<hbm>>
        %dma_wait3A_68 = tpu.memref_squeeze %dma_wait3A_67 : memref<1x1000000xf32, #tpu.memory_space<hbm>> -> memref<1000000xf32, #tpu.memory_space<hbm>>
        tpu.wait_dma2 semaphore(%arg13 : memref<!tpu.dma_semaphore, #tpu.memory_space<semaphore_mem>>) src(%dma_wait3A_68 : memref<1000000xf32, #tpu.memory_space<hbm>>) dst(%arg11 : memref<1000000xf32, #tpu.memory_space<vmem_shared>>)
      } else {
      }
      %barrier3A = arith.constant 0 : index
      tpu.barrier barrier_id(%barrier3A)
      %lt3A_49 = arith.constant 14 : i32
      %lt3A_50 = arith.cmpi slt, %arg1, %lt3A_49 : i32
      %convert_element_type3A_51 = arith.extui %lt3A_50 : i1 to i32
      %cond3A_52 = arith.constant 0 : i32
      %cond3A_53 = arith.cmpi ne, %convert_element_type3A_51, %cond3A_52 : i32
      scf.if %cond3A_53 {
        %dma_start3A = arith.constant 0 : i32
        %dma_start3A_67 = tpu.memref_slice %arg10[%dma_start3A] : memref<16384xf32, #tpu.memory_space<vmem>> -> memref<12288xf32, #tpu.memory_space<vmem>>
        %dma_start3A_68 = arith.constant 0 : i32
        %dma_start3A_69 = tpu.memref_slice %arg7[%dma_start3A_68] : memref<16384xi32, #tpu.memory_space<vmem>> -> memref<12288xi32, #tpu.memory_space<vmem>>
        %dma_start3A_70 = arith.constant 0 : i32
        %dma_start3A_71 = tpu.memref_slice %arg11[%dma_start3A_70] : memref<1000000xf32, #tpu.memory_space<vmem_shared>> -> memref<1000000xf32, #tpu.memory_space<vmem_shared>>
        tpu.enqueue_indirect_dma source(%dma_start3A_71 : memref<1000000xf32, #tpu.memory_space<vmem_shared>>) target(%dma_start3A_67 : memref<12288xf32, #tpu.memory_space<vmem>>) offsets(%dma_start3A_69 : memref<12288xi32, #tpu.memory_space<vmem>>) semaphore(%arg12 : memref<!tpu.dma_semaphore, #tpu.memory_space<semaphore_mem>>)
        %dma_wait3A = arith.constant 0 : i32
        %dma_wait3A_72 = tpu.memref_slice %arg10[%dma_wait3A] : memref<16384xf32, #tpu.memory_space<vmem>> -> memref<12288xf32, #tpu.memory_space<vmem>>
        %dma_wait3A_73 = arith.constant 0 : i32
        %dma_wait3A_74 = tpu.memref_slice %arg7[%dma_wait3A_73] : memref<16384xi32, #tpu.memory_space<vmem>> -> memref<12288xi32, #tpu.memory_space<vmem>>
        %dma_wait3A_75 = arith.constant 0 : i32
        %dma_wait3A_76 = tpu.memref_slice %arg11[%dma_wait3A_75] : memref<1000000xf32, #tpu.memory_space<vmem_shared>> -> memref<1000000xf32, #tpu.memory_space<vmem_shared>>
        tpu.wait_indirect_dma semaphore(%arg12 : memref<!tpu.dma_semaphore, #tpu.memory_space<semaphore_mem>>) src(%dma_wait3A_76 : memref<1000000xf32, #tpu.memory_space<vmem_shared>>) dst(%dma_wait3A_72 : memref<12288xf32, #tpu.memory_space<vmem>>)
        %add3A_77 = arith.constant 0 : i32
        %add3A_78 = arith.addi %mul3A_4, %add3A_77 : i32
        "tpu.region"() ({
          %run_scoped3A = tpu.sem_alloc : memref<!tpu.dma_semaphore, #tpu.memory_space<semaphore_mem>>
          %dma_start3A_83 = arith.constant 0 : i32
          %dma_start3A_84 = tpu.memref_slice %arg10[%dma_start3A_83] : memref<16384xf32, #tpu.memory_space<vmem>> -> memref<4096xf32, #tpu.memory_space<vmem>>
          %dma_start3A_85 = arith.constant 0 : i32
          %dma_start3A_86 = arith.constant 0 : i32
          %dma_start3A_87 = tpu.memref_slice %arg5[%add3A_78, %dma_start3A_85, %dma_start3A_86] : memref<50x64x4096xf32, #tpu.memory_space<hbm>> -> memref<1x64x4096xf32, #tpu.memory_space<hbm>>
          %dma_start3A_88 = tpu.memref_squeeze %dma_start3A_87 : memref<1x64x4096xf32, #tpu.memory_space<hbm>> -> memref<64x4096xf32, #tpu.memory_space<hbm>>
          %dma_start3A_89 = arith.constant 0 : i32
          %dma_start3A_90 = tpu.memref_slice %dma_start3A_88[%add3A_43, %dma_start3A_89] : memref<64x4096xf32, #tpu.memory_space<hbm>> -> memref<1x4096xf32, #tpu.memory_space<hbm>>
          %dma_start3A_91 = tpu.memref_squeeze %dma_start3A_90 : memref<1x4096xf32, #tpu.memory_space<hbm>> -> memref<4096xf32, #tpu.memory_space<hbm>>
          %dma_start3A_92 = arith.constant 0 : i32
          %dma_start3A_93 = arith.constant 0 : i32
          %dma_start3A_94 = tpu.memref_slice %arg5[%add3A_78, %dma_start3A_92, %dma_start3A_93] : memref<50x64x4096xf32, #tpu.memory_space<hbm>> -> memref<1x64x4096xf32, #tpu.memory_space<hbm>>
          %dma_start3A_95 = tpu.memref_squeeze %dma_start3A_94 : memref<1x64x4096xf32, #tpu.memory_space<hbm>> -> memref<64x4096xf32, #tpu.memory_space<hbm>>
          %dma_start3A_96 = arith.constant 0 : i32
          %dma_start3A_97 = tpu.memref_slice %dma_start3A_95[%add3A_43, %dma_start3A_96] : memref<64x4096xf32, #tpu.memory_space<hbm>> -> memref<1x4096xf32, #tpu.memory_space<hbm>>
          %dma_start3A_98 = tpu.memref_squeeze %dma_start3A_97 : memref<1x4096xf32, #tpu.memory_space<hbm>> -> memref<4096xf32, #tpu.memory_space<hbm>>
          %dma_start3A_99 = arith.constant 0 : i32
          %dma_start3A_100 = tpu.memref_slice %arg10[%dma_start3A_99] : memref<16384xf32, #tpu.memory_space<vmem>> -> memref<4096xf32, #tpu.memory_space<vmem>>
          tpu.enqueue_dma source(%dma_start3A_100 : memref<4096xf32, #tpu.memory_space<vmem>>) target(%dma_start3A_98 : memref<4096xf32, #tpu.memory_space<hbm>>) target_semaphore(%run_scoped3A : memref<!tpu.dma_semaphore, #tpu.memory_space<semaphore_mem>>)
          %dma_wait3A_101 = arith.constant 0 : i32
          %dma_wait3A_102 = tpu.memref_slice %arg10[%dma_wait3A_101] : memref<16384xf32, #tpu.memory_space<vmem>> -> memref<4096xf32, #tpu.memory_space<vmem>>
          %dma_wait3A_103 = arith.constant 0 : i32
          %dma_wait3A_104 = arith.constant 0 : i32
          %dma_wait3A_105 = tpu.memref_slice %arg5[%add3A_78, %dma_wait3A_103, %dma_wait3A_104] : memref<50x64x4096xf32, #tpu.memory_space<hbm>> -> memref<1x64x4096xf32, #tpu.memory_space<hbm>>
          %dma_wait3A_106 = tpu.memref_squeeze %dma_wait3A_105 : memref<1x64x4096xf32, #tpu.memory_space<hbm>> -> memref<64x4096xf32, #tpu.memory_space<hbm>>
          %dma_wait3A_107 = arith.constant 0 : i32
          %dma_wait3A_108 = tpu.memref_slice %dma_wait3A_106[%add3A_43, %dma_wait3A_107] : memref<64x4096xf32, #tpu.memory_space<hbm>> -> memref<1x4096xf32, #tpu.memory_space<hbm>>
          %dma_wait3A_109 = tpu.memref_squeeze %dma_wait3A_108 : memref<1x4096xf32, #tpu.memory_space<hbm>> -> memref<4096xf32, #tpu.memory_space<hbm>>
          %dma_wait3A_110 = arith.constant 0 : i32
          %dma_wait3A_111 = arith.constant 0 : i32
          %dma_wait3A_112 = tpu.memref_slice %arg5[%add3A_78, %dma_wait3A_110, %dma_wait3A_111] : memref<50x64x4096xf32, #tpu.memory_space<hbm>> -> memref<1x64x4096xf32, #tpu.memory_space<hbm>>
          %dma_wait3A_113 = tpu.memref_squeeze %dma_wait3A_112 : memref<1x64x4096xf32, #tpu.memory_space<hbm>> -> memref<64x4096xf32, #tpu.memory_space<hbm>>
          %dma_wait3A_114 = arith.constant 0 : i32
          %dma_wait3A_115 = tpu.memref_slice %dma_wait3A_113[%add3A_43, %dma_wait3A_114] : memref<64x4096xf32, #tpu.memory_space<hbm>> -> memref<1x4096xf32, #tpu.memory_space<hbm>>
          %dma_wait3A_116 = tpu.memref_squeeze %dma_wait3A_115 : memref<1x4096xf32, #tpu.memory_space<hbm>> -> memref<4096xf32, #tpu.memory_space<hbm>>
          %dma_wait3A_117 = arith.constant 0 : i32
          %dma_wait3A_118 = tpu.memref_slice %arg10[%dma_wait3A_117] : memref<16384xf32, #tpu.memory_space<vmem>> -> memref<4096xf32, #tpu.memory_space<vmem>>
          tpu.wait_dma2 semaphore(%run_scoped3A : memref<!tpu.dma_semaphore, #tpu.memory_space<semaphore_mem>>) src(%dma_wait3A_118 : memref<4096xf32, #tpu.memory_space<vmem>>) dst(%dma_wait3A_116 : memref<4096xf32, #tpu.memory_space<hbm>>)
          tpu.yield
        }) : () -> ()
        %add3A_79 = arith.constant 1 : i32
        %add3A_80 = arith.addi %mul3A_4, %add3A_79 : i32
        "tpu.region"() ({
          %run_scoped3A = tpu.sem_alloc : memref<!tpu.dma_semaphore, #tpu.memory_space<semaphore_mem>>
          %dma_start3A_83 = arith.constant 4096 : i32
          %dma_start3A_84 = tpu.memref_slice %arg10[%dma_start3A_83] : memref<16384xf32, #tpu.memory_space<vmem>> -> memref<4096xf32, #tpu.memory_space<vmem>>
          %dma_start3A_85 = arith.constant 0 : i32
          %dma_start3A_86 = arith.constant 0 : i32
          %dma_start3A_87 = tpu.memref_slice %arg5[%add3A_80, %dma_start3A_85, %dma_start3A_86] : memref<50x64x4096xf32, #tpu.memory_space<hbm>> -> memref<1x64x4096xf32, #tpu.memory_space<hbm>>
          %dma_start3A_88 = tpu.memref_squeeze %dma_start3A_87 : memref<1x64x4096xf32, #tpu.memory_space<hbm>> -> memref<64x4096xf32, #tpu.memory_space<hbm>>
          %dma_start3A_89 = arith.constant 0 : i32
          %dma_start3A_90 = tpu.memref_slice %dma_start3A_88[%add3A_43, %dma_start3A_89] : memref<64x4096xf32, #tpu.memory_space<hbm>> -> memref<1x4096xf32, #tpu.memory_space<hbm>>
          %dma_start3A_91 = tpu.memref_squeeze %dma_start3A_90 : memref<1x4096xf32, #tpu.memory_space<hbm>> -> memref<4096xf32, #tpu.memory_space<hbm>>
          %dma_start3A_92 = arith.constant 0 : i32
          %dma_start3A_93 = arith.constant 0 : i32
          %dma_start3A_94 = tpu.memref_slice %arg5[%add3A_80, %dma_start3A_92, %dma_start3A_93] : memref<50x64x4096xf32, #tpu.memory_space<hbm>> -> memref<1x64x4096xf32, #tpu.memory_space<hbm>>
          %dma_start3A_95 = tpu.memref_squeeze %dma_start3A_94 : memref<1x64x4096xf32, #tpu.memory_space<hbm>> -> memref<64x4096xf32, #tpu.memory_space<hbm>>
          %dma_start3A_96 = arith.constant 0 : i32
          %dma_start3A_97 = tpu.memref_slice %dma_start3A_95[%add3A_43, %dma_start3A_96] : memref<64x4096xf32, #tpu.memory_space<hbm>> -> memref<1x4096xf32, #tpu.memory_space<hbm>>
          %dma_start3A_98 = tpu.memref_squeeze %dma_start3A_97 : memref<1x4096xf32, #tpu.memory_space<hbm>> -> memref<4096xf32, #tpu.memory_space<hbm>>
          %dma_start3A_99 = arith.constant 4096 : i32
          %dma_start3A_100 = tpu.memref_slice %arg10[%dma_start3A_99] : memref<16384xf32, #tpu.memory_space<vmem>> -> memref<4096xf32, #tpu.memory_space<vmem>>
          tpu.enqueue_dma source(%dma_start3A_100 : memref<4096xf32, #tpu.memory_space<vmem>>) target(%dma_start3A_98 : memref<4096xf32, #tpu.memory_space<hbm>>) target_semaphore(%run_scoped3A : memref<!tpu.dma_semaphore, #tpu.memory_space<semaphore_mem>>)
          %dma_wait3A_101 = arith.constant 4096 : i32
          %dma_wait3A_102 = tpu.memref_slice %arg10[%dma_wait3A_101] : memref<16384xf32, #tpu.memory_space<vmem>> -> memref<4096xf32, #tpu.memory_space<vmem>>
          %dma_wait3A_103 = arith.constant 0 : i32
          %dma_wait3A_104 = arith.constant 0 : i32
          %dma_wait3A_105 = tpu.memref_slice %arg5[%add3A_80, %dma_wait3A_103, %dma_wait3A_104] : memref<50x64x4096xf32, #tpu.memory_space<hbm>> -> memref<1x64x4096xf32, #tpu.memory_space<hbm>>
          %dma_wait3A_106 = tpu.memref_squeeze %dma_wait3A_105 : memref<1x64x4096xf32, #tpu.memory_space<hbm>> -> memref<64x4096xf32, #tpu.memory_space<hbm>>
          %dma_wait3A_107 = arith.constant 0 : i32
          %dma_wait3A_108 = tpu.memref_slice %dma_wait3A_106[%add3A_43, %dma_wait3A_107] : memref<64x4096xf32, #tpu.memory_space<hbm>> -> memref<1x4096xf32, #tpu.memory_space<hbm>>
          %dma_wait3A_109 = tpu.memref_squeeze %dma_wait3A_108 : memref<1x4096xf32, #tpu.memory_space<hbm>> -> memref<4096xf32, #tpu.memory_space<hbm>>
          %dma_wait3A_110 = arith.constant 0 : i32
          %dma_wait3A_111 = arith.constant 0 : i32
          %dma_wait3A_112 = tpu.memref_slice %arg5[%add3A_80, %dma_wait3A_110, %dma_wait3A_111] : memref<50x64x4096xf32, #tpu.memory_space<hbm>> -> memref<1x64x4096xf32, #tpu.memory_space<hbm>>
          %dma_wait3A_113 = tpu.memref_squeeze %dma_wait3A_112 : memref<1x64x4096xf32, #tpu.memory_space<hbm>> -> memref<64x4096xf32, #tpu.memory_space<hbm>>
          %dma_wait3A_114 = arith.constant 0 : i32
          %dma_wait3A_115 = tpu.memref_slice %dma_wait3A_113[%add3A_43, %dma_wait3A_114] : memref<64x4096xf32, #tpu.memory_space<hbm>> -> memref<1x4096xf32, #tpu.memory_space<hbm>>
          %dma_wait3A_116 = tpu.memref_squeeze %dma_wait3A_115 : memref<1x4096xf32, #tpu.memory_space<hbm>> -> memref<4096xf32, #tpu.memory_space<hbm>>
          %dma_wait3A_117 = arith.constant 4096 : i32
          %dma_wait3A_118 = tpu.memref_slice %arg10[%dma_wait3A_117] : memref<16384xf32, #tpu.memory_space<vmem>> -> memref<4096xf32, #tpu.memory_space<vmem>>
          tpu.wait_dma2 semaphore(%run_scoped3A : memref<!tpu.dma_semaphore, #tpu.memory_space<semaphore_mem>>) src(%dma_wait3A_118 : memref<4096xf32, #tpu.memory_space<vmem>>) dst(%dma_wait3A_116 : memref<4096xf32, #tpu.memory_space<hbm>>)
          tpu.yield
        }) : () -> ()
        %add3A_81 = arith.constant 2 : i32
        %add3A_82 = arith.addi %mul3A_4, %add3A_81 : i32
        "tpu.region"() ({
          %run_scoped3A = tpu.sem_alloc : memref<!tpu.dma_semaphore, #tpu.memory_space<semaphore_mem>>
          %dma_start3A_83 = arith.constant 8192 : i32
          %dma_start3A_84 = tpu.memref_slice %arg10[%dma_start3A_83] : memref<16384xf32, #tpu.memory_space<vmem>> -> memref<4096xf32, #tpu.memory_space<vmem>>
          %dma_start3A_85 = arith.constant 0 : i32
          %dma_start3A_86 = arith.constant 0 : i32
          %dma_start3A_87 = tpu.memref_slice %arg5[%add3A_82, %dma_start3A_85, %dma_start3A_86] : memref<50x64x4096xf32, #tpu.memory_space<hbm>> -> memref<1x64x4096xf32, #tpu.memory_space<hbm>>
          %dma_start3A_88 = tpu.memref_squeeze %dma_start3A_87 : memref<1x64x4096xf32, #tpu.memory_space<hbm>> -> memref<64x4096xf32, #tpu.memory_space<hbm>>
          %dma_start3A_89 = arith.constant 0 : i32
          %dma_start3A_90 = tpu.memref_slice %dma_start3A_88[%add3A_43, %dma_start3A_89] : memref<64x4096xf32, #tpu.memory_space<hbm>> -> memref<1x4096xf32, #tpu.memory_space<hbm>>
          %dma_start3A_91 = tpu.memref_squeeze %dma_start3A_90 : memref<1x4096xf32, #tpu.memory_space<hbm>> -> memref<4096xf32, #tpu.memory_space<hbm>>
          %dma_start3A_92 = arith.constant 0 : i32
          %dma_start3A_93 = arith.constant 0 : i32
          %dma_start3A_94 = tpu.memref_slice %arg5[%add3A_82, %dma_start3A_92, %dma_start3A_93] : memref<50x64x4096xf32, #tpu.memory_space<hbm>> -> memref<1x64x4096xf32, #tpu.memory_space<hbm>>
          %dma_start3A_95 = tpu.memref_squeeze %dma_start3A_94 : memref<1x64x4096xf32, #tpu.memory_space<hbm>> -> memref<64x4096xf32, #tpu.memory_space<hbm>>
          %dma_start3A_96 = arith.constant 0 : i32
          %dma_start3A_97 = tpu.memref_slice %dma_start3A_95[%add3A_43, %dma_start3A_96] : memref<64x4096xf32, #tpu.memory_space<hbm>> -> memref<1x4096xf32, #tpu.memory_space<hbm>>
          %dma_start3A_98 = tpu.memref_squeeze %dma_start3A_97 : memref<1x4096xf32, #tpu.memory_space<hbm>> -> memref<4096xf32, #tpu.memory_space<hbm>>
          %dma_start3A_99 = arith.constant 8192 : i32
          %dma_start3A_100 = tpu.memref_slice %arg10[%dma_start3A_99] : memref<16384xf32, #tpu.memory_space<vmem>> -> memref<4096xf32, #tpu.memory_space<vmem>>
          tpu.enqueue_dma source(%dma_start3A_100 : memref<4096xf32, #tpu.memory_space<vmem>>) target(%dma_start3A_98 : memref<4096xf32, #tpu.memory_space<hbm>>) target_semaphore(%run_scoped3A : memref<!tpu.dma_semaphore, #tpu.memory_space<semaphore_mem>>)
          %dma_wait3A_101 = arith.constant 8192 : i32
          %dma_wait3A_102 = tpu.memref_slice %arg10[%dma_wait3A_101] : memref<16384xf32, #tpu.memory_space<vmem>> -> memref<4096xf32, #tpu.memory_space<vmem>>
          %dma_wait3A_103 = arith.constant 0 : i32
          %dma_wait3A_104 = arith.constant 0 : i32
          %dma_wait3A_105 = tpu.memref_slice %arg5[%add3A_82, %dma_wait3A_103, %dma_wait3A_104] : memref<50x64x4096xf32, #tpu.memory_space<hbm>> -> memref<1x64x4096xf32, #tpu.memory_space<hbm>>
          %dma_wait3A_106 = tpu.memref_squeeze %dma_wait3A_105 : memref<1x64x4096xf32, #tpu.memory_space<hbm>> -> memref<64x4096xf32, #tpu.memory_space<hbm>>
          %dma_wait3A_107 = arith.constant 0 : i32
          %dma_wait3A_108 = tpu.memref_slice %dma_wait3A_106[%add3A_43, %dma_wait3A_107] : memref<64x4096xf32, #tpu.memory_space<hbm>> -> memref<1x4096xf32, #tpu.memory_space<hbm>>
          %dma_wait3A_109 = tpu.memref_squeeze %dma_wait3A_108 : memref<1x4096xf32, #tpu.memory_space<hbm>> -> memref<4096xf32, #tpu.memory_space<hbm>>
          %dma_wait3A_110 = arith.constant 0 : i32
          %dma_wait3A_111 = arith.constant 0 : i32
          %dma_wait3A_112 = tpu.memref_slice %arg5[%add3A_82, %dma_wait3A_110, %dma_wait3A_111] : memref<50x64x4096xf32, #tpu.memory_space<hbm>> -> memref<1x64x4096xf32, #tpu.memory_space<hbm>>
          %dma_wait3A_113 = tpu.memref_squeeze %dma_wait3A_112 : memref<1x64x4096xf32, #tpu.memory_space<hbm>> -> memref<64x4096xf32, #tpu.memory_space<hbm>>
          %dma_wait3A_114 = arith.constant 0 : i32
          %dma_wait3A_115 = tpu.memref_slice %dma_wait3A_113[%add3A_43, %dma_wait3A_114] : memref<64x4096xf32, #tpu.memory_space<hbm>> -> memref<1x4096xf32, #tpu.memory_space<hbm>>
          %dma_wait3A_116 = tpu.memref_squeeze %dma_wait3A_115 : memref<1x4096xf32, #tpu.memory_space<hbm>> -> memref<4096xf32, #tpu.memory_space<hbm>>
          %dma_wait3A_117 = arith.constant 8192 : i32
          %dma_wait3A_118 = tpu.memref_slice %arg10[%dma_wait3A_117] : memref<16384xf32, #tpu.memory_space<vmem>> -> memref<4096xf32, #tpu.memory_space<vmem>>
          tpu.wait_dma2 semaphore(%run_scoped3A : memref<!tpu.dma_semaphore, #tpu.memory_space<semaphore_mem>>) src(%dma_wait3A_118 : memref<4096xf32, #tpu.memory_space<vmem>>) dst(%dma_wait3A_116 : memref<4096xf32, #tpu.memory_space<hbm>>)
          tpu.yield
        }) : () -> ()
      } else {
      }
      %ge3A_54 = arith.constant 14 : i32
      %ge3A_55 = arith.cmpi sge, %arg1, %ge3A_54 : i32
      %convert_element_type3A_56 = arith.extui %ge3A_55 : i1 to i32
      %cond3A_57 = arith.constant 0 : i32
      %cond3A_58 = arith.cmpi ne, %convert_element_type3A_56, %cond3A_57 : i32
      scf.if %cond3A_58 {
        %dma_start3A = arith.constant 0 : i32
        %dma_start3A_67 = tpu.memref_slice %arg10[%dma_start3A] : memref<16384xf32, #tpu.memory_space<vmem>> -> memref<16384xf32, #tpu.memory_space<vmem>>
        %dma_start3A_68 = arith.constant 0 : i32
        %dma_start3A_69 = tpu.memref_slice %arg7[%dma_start3A_68] : memref<16384xi32, #tpu.memory_space<vmem>> -> memref<16384xi32, #tpu.memory_space<vmem>>
        %dma_start3A_70 = arith.constant 0 : i32
        %dma_start3A_71 = tpu.memref_slice %arg11[%dma_start3A_70] : memref<1000000xf32, #tpu.memory_space<vmem_shared>> -> memref<1000000xf32, #tpu.memory_space<vmem_shared>>
        tpu.enqueue_indirect_dma source(%dma_start3A_71 : memref<1000000xf32, #tpu.memory_space<vmem_shared>>) target(%dma_start3A_67 : memref<16384xf32, #tpu.memory_space<vmem>>) offsets(%dma_start3A_69 : memref<16384xi32, #tpu.memory_space<vmem>>) semaphore(%arg12 : memref<!tpu.dma_semaphore, #tpu.memory_space<semaphore_mem>>)
        %dma_wait3A = arith.constant 0 : i32
        %dma_wait3A_72 = tpu.memref_slice %arg10[%dma_wait3A] : memref<16384xf32, #tpu.memory_space<vmem>> -> memref<16384xf32, #tpu.memory_space<vmem>>
        %dma_wait3A_73 = arith.constant 0 : i32
        %dma_wait3A_74 = tpu.memref_slice %arg7[%dma_wait3A_73] : memref<16384xi32, #tpu.memory_space<vmem>> -> memref<16384xi32, #tpu.memory_space<vmem>>
        %dma_wait3A_75 = arith.constant 0 : i32
        %dma_wait3A_76 = tpu.memref_slice %arg11[%dma_wait3A_75] : memref<1000000xf32, #tpu.memory_space<vmem_shared>> -> memref<1000000xf32, #tpu.memory_space<vmem_shared>>
        tpu.wait_indirect_dma semaphore(%arg12 : memref<!tpu.dma_semaphore, #tpu.memory_space<semaphore_mem>>) src(%dma_wait3A_76 : memref<1000000xf32, #tpu.memory_space<vmem_shared>>) dst(%dma_wait3A_72 : memref<16384xf32, #tpu.memory_space<vmem>>)
        %add3A_77 = arith.constant 0 : i32
        %add3A_78 = arith.addi %add3A_9, %add3A_77 : i32
        "tpu.region"() ({
          %run_scoped3A = tpu.sem_alloc : memref<!tpu.dma_semaphore, #tpu.memory_space<semaphore_mem>>
          %dma_start3A_85 = arith.constant 0 : i32
          %dma_start3A_86 = tpu.memref_slice %arg10[%dma_start3A_85] : memref<16384xf32, #tpu.memory_space<vmem>> -> memref<4096xf32, #tpu.memory_space<vmem>>
          %dma_start3A_87 = arith.constant 0 : i32
          %dma_start3A_88 = arith.constant 0 : i32
          %dma_start3A_89 = tpu.memref_slice %arg5[%add3A_78, %dma_start3A_87, %dma_start3A_88] : memref<50x64x4096xf32, #tpu.memory_space<hbm>> -> memref<1x64x4096xf32, #tpu.memory_space<hbm>>
          %dma_start3A_90 = tpu.memref_squeeze %dma_start3A_89 : memref<1x64x4096xf32, #tpu.memory_space<hbm>> -> memref<64x4096xf32, #tpu.memory_space<hbm>>
          %dma_start3A_91 = arith.constant 0 : i32
          %dma_start3A_92 = tpu.memref_slice %dma_start3A_90[%add3A_43, %dma_start3A_91] : memref<64x4096xf32, #tpu.memory_space<hbm>> -> memref<1x4096xf32, #tpu.memory_space<hbm>>
          %dma_start3A_93 = tpu.memref_squeeze %dma_start3A_92 : memref<1x4096xf32, #tpu.memory_space<hbm>> -> memref<4096xf32, #tpu.memory_space<hbm>>
          %dma_start3A_94 = arith.constant 0 : i32
          %dma_start3A_95 = arith.constant 0 : i32
          %dma_start3A_96 = tpu.memref_slice %arg5[%add3A_78, %dma_start3A_94, %dma_start3A_95] : memref<50x64x4096xf32, #tpu.memory_space<hbm>> -> memref<1x64x4096xf32, #tpu.memory_space<hbm>>
          %dma_start3A_97 = tpu.memref_squeeze %dma_start3A_96 : memref<1x64x4096xf32, #tpu.memory_space<hbm>> -> memref<64x4096xf32, #tpu.memory_space<hbm>>
          %dma_start3A_98 = arith.constant 0 : i32
          %dma_start3A_99 = tpu.memref_slice %dma_start3A_97[%add3A_43, %dma_start3A_98] : memref<64x4096xf32, #tpu.memory_space<hbm>> -> memref<1x4096xf32, #tpu.memory_space<hbm>>
          %dma_start3A_100 = tpu.memref_squeeze %dma_start3A_99 : memref<1x4096xf32, #tpu.memory_space<hbm>> -> memref<4096xf32, #tpu.memory_space<hbm>>
          %dma_start3A_101 = arith.constant 0 : i32
          %dma_start3A_102 = tpu.memref_slice %arg10[%dma_start3A_101] : memref<16384xf32, #tpu.memory_space<vmem>> -> memref<4096xf32, #tpu.memory_space<vmem>>
          tpu.enqueue_dma source(%dma_start3A_102 : memref<4096xf32, #tpu.memory_space<vmem>>) target(%dma_start3A_100 : memref<4096xf32, #tpu.memory_space<hbm>>) target_semaphore(%run_scoped3A : memref<!tpu.dma_semaphore, #tpu.memory_space<semaphore_mem>>)
          %dma_wait3A_103 = arith.constant 0 : i32
          %dma_wait3A_104 = tpu.memref_slice %arg10[%dma_wait3A_103] : memref<16384xf32, #tpu.memory_space<vmem>> -> memref<4096xf32, #tpu.memory_space<vmem>>
          %dma_wait3A_105 = arith.constant 0 : i32
          %dma_wait3A_106 = arith.constant 0 : i32
          %dma_wait3A_107 = tpu.memref_slice %arg5[%add3A_78, %dma_wait3A_105, %dma_wait3A_106] : memref<50x64x4096xf32, #tpu.memory_space<hbm>> -> memref<1x64x4096xf32, #tpu.memory_space<hbm>>
          %dma_wait3A_108 = tpu.memref_squeeze %dma_wait3A_107 : memref<1x64x4096xf32, #tpu.memory_space<hbm>> -> memref<64x4096xf32, #tpu.memory_space<hbm>>
          %dma_wait3A_109 = arith.constant 0 : i32
          %dma_wait3A_110 = tpu.memref_slice %dma_wait3A_108[%add3A_43, %dma_wait3A_109] : memref<64x4096xf32, #tpu.memory_space<hbm>> -> memref<1x4096xf32, #tpu.memory_space<hbm>>
          %dma_wait3A_111 = tpu.memref_squeeze %dma_wait3A_110 : memref<1x4096xf32, #tpu.memory_space<hbm>> -> memref<4096xf32, #tpu.memory_space<hbm>>
          %dma_wait3A_112 = arith.constant 0 : i32
          %dma_wait3A_113 = arith.constant 0 : i32
          %dma_wait3A_114 = tpu.memref_slice %arg5[%add3A_78, %dma_wait3A_112, %dma_wait3A_113] : memref<50x64x4096xf32, #tpu.memory_space<hbm>> -> memref<1x64x4096xf32, #tpu.memory_space<hbm>>
          %dma_wait3A_115 = tpu.memref_squeeze %dma_wait3A_114 : memref<1x64x4096xf32, #tpu.memory_space<hbm>> -> memref<64x4096xf32, #tpu.memory_space<hbm>>
          %dma_wait3A_116 = arith.constant 0 : i32
          %dma_wait3A_117 = tpu.memref_slice %dma_wait3A_115[%add3A_43, %dma_wait3A_116] : memref<64x4096xf32, #tpu.memory_space<hbm>> -> memref<1x4096xf32, #tpu.memory_space<hbm>>
          %dma_wait3A_118 = tpu.memref_squeeze %dma_wait3A_117 : memref<1x4096xf32, #tpu.memory_space<hbm>> -> memref<4096xf32, #tpu.memory_space<hbm>>
          %dma_wait3A_119 = arith.constant 0 : i32
          %dma_wait3A_120 = tpu.memref_slice %arg10[%dma_wait3A_119] : memref<16384xf32, #tpu.memory_space<vmem>> -> memref<4096xf32, #tpu.memory_space<vmem>>
          tpu.wait_dma2 semaphore(%run_scoped3A : memref<!tpu.dma_semaphore, #tpu.memory_space<semaphore_mem>>) src(%dma_wait3A_120 : memref<4096xf32, #tpu.memory_space<vmem>>) dst(%dma_wait3A_118 : memref<4096xf32, #tpu.memory_space<hbm>>)
          tpu.yield
        }) : () -> ()
        %add3A_79 = arith.constant 1 : i32
        %add3A_80 = arith.addi %add3A_9, %add3A_79 : i32
        "tpu.region"() ({
          %run_scoped3A = tpu.sem_alloc : memref<!tpu.dma_semaphore, #tpu.memory_space<semaphore_mem>>
          %dma_start3A_85 = arith.constant 4096 : i32
          %dma_start3A_86 = tpu.memref_slice %arg10[%dma_start3A_85] : memref<16384xf32, #tpu.memory_space<vmem>> -> memref<4096xf32, #tpu.memory_space<vmem>>
          %dma_start3A_87 = arith.constant 0 : i32
          %dma_start3A_88 = arith.constant 0 : i32
          %dma_start3A_89 = tpu.memref_slice %arg5[%add3A_80, %dma_start3A_87, %dma_start3A_88] : memref<50x64x4096xf32, #tpu.memory_space<hbm>> -> memref<1x64x4096xf32, #tpu.memory_space<hbm>>
          %dma_start3A_90 = tpu.memref_squeeze %dma_start3A_89 : memref<1x64x4096xf32, #tpu.memory_space<hbm>> -> memref<64x4096xf32, #tpu.memory_space<hbm>>
          %dma_start3A_91 = arith.constant 0 : i32
          %dma_start3A_92 = tpu.memref_slice %dma_start3A_90[%add3A_43, %dma_start3A_91] : memref<64x4096xf32, #tpu.memory_space<hbm>> -> memref<1x4096xf32, #tpu.memory_space<hbm>>
          %dma_start3A_93 = tpu.memref_squeeze %dma_start3A_92 : memref<1x4096xf32, #tpu.memory_space<hbm>> -> memref<4096xf32, #tpu.memory_space<hbm>>
          %dma_start3A_94 = arith.constant 0 : i32
          %dma_start3A_95 = arith.constant 0 : i32
          %dma_start3A_96 = tpu.memref_slice %arg5[%add3A_80, %dma_start3A_94, %dma_start3A_95] : memref<50x64x4096xf32, #tpu.memory_space<hbm>> -> memref<1x64x4096xf32, #tpu.memory_space<hbm>>
          %dma_start3A_97 = tpu.memref_squeeze %dma_start3A_96 : memref<1x64x4096xf32, #tpu.memory_space<hbm>> -> memref<64x4096xf32, #tpu.memory_space<hbm>>
          %dma_start3A_98 = arith.constant 0 : i32
          %dma_start3A_99 = tpu.memref_slice %dma_start3A_97[%add3A_43, %dma_start3A_98] : memref<64x4096xf32, #tpu.memory_space<hbm>> -> memref<1x4096xf32, #tpu.memory_space<hbm>>
          %dma_start3A_100 = tpu.memref_squeeze %dma_start3A_99 : memref<1x4096xf32, #tpu.memory_space<hbm>> -> memref<4096xf32, #tpu.memory_space<hbm>>
          %dma_start3A_101 = arith.constant 4096 : i32
          %dma_start3A_102 = tpu.memref_slice %arg10[%dma_start3A_101] : memref<16384xf32, #tpu.memory_space<vmem>> -> memref<4096xf32, #tpu.memory_space<vmem>>
          tpu.enqueue_dma source(%dma_start3A_102 : memref<4096xf32, #tpu.memory_space<vmem>>) target(%dma_start3A_100 : memref<4096xf32, #tpu.memory_space<hbm>>) target_semaphore(%run_scoped3A : memref<!tpu.dma_semaphore, #tpu.memory_space<semaphore_mem>>)
          %dma_wait3A_103 = arith.constant 4096 : i32
          %dma_wait3A_104 = tpu.memref_slice %arg10[%dma_wait3A_103] : memref<16384xf32, #tpu.memory_space<vmem>> -> memref<4096xf32, #tpu.memory_space<vmem>>
          %dma_wait3A_105 = arith.constant 0 : i32
          %dma_wait3A_106 = arith.constant 0 : i32
          %dma_wait3A_107 = tpu.memref_slice %arg5[%add3A_80, %dma_wait3A_105, %dma_wait3A_106] : memref<50x64x4096xf32, #tpu.memory_space<hbm>> -> memref<1x64x4096xf32, #tpu.memory_space<hbm>>
          %dma_wait3A_108 = tpu.memref_squeeze %dma_wait3A_107 : memref<1x64x4096xf32, #tpu.memory_space<hbm>> -> memref<64x4096xf32, #tpu.memory_space<hbm>>
          %dma_wait3A_109 = arith.constant 0 : i32
          %dma_wait3A_110 = tpu.memref_slice %dma_wait3A_108[%add3A_43, %dma_wait3A_109] : memref<64x4096xf32, #tpu.memory_space<hbm>> -> memref<1x4096xf32, #tpu.memory_space<hbm>>
          %dma_wait3A_111 = tpu.memref_squeeze %dma_wait3A_110 : memref<1x4096xf32, #tpu.memory_space<hbm>> -> memref<4096xf32, #tpu.memory_space<hbm>>
          %dma_wait3A_112 = arith.constant 0 : i32
          %dma_wait3A_113 = arith.constant 0 : i32
          %dma_wait3A_114 = tpu.memref_slice %arg5[%add3A_80, %dma_wait3A_112, %dma_wait3A_113] : memref<50x64x4096xf32, #tpu.memory_space<hbm>> -> memref<1x64x4096xf32, #tpu.memory_space<hbm>>
          %dma_wait3A_115 = tpu.memref_squeeze %dma_wait3A_114 : memref<1x64x4096xf32, #tpu.memory_space<hbm>> -> memref<64x4096xf32, #tpu.memory_space<hbm>>
          %dma_wait3A_116 = arith.constant 0 : i32
          %dma_wait3A_117 = tpu.memref_slice %dma_wait3A_115[%add3A_43, %dma_wait3A_116] : memref<64x4096xf32, #tpu.memory_space<hbm>> -> memref<1x4096xf32, #tpu.memory_space<hbm>>
          %dma_wait3A_118 = tpu.memref_squeeze %dma_wait3A_117 : memref<1x4096xf32, #tpu.memory_space<hbm>> -> memref<4096xf32, #tpu.memory_space<hbm>>
          %dma_wait3A_119 = arith.constant 4096 : i32
          %dma_wait3A_120 = tpu.memref_slice %arg10[%dma_wait3A_119] : memref<16384xf32, #tpu.memory_space<vmem>> -> memref<4096xf32, #tpu.memory_space<vmem>>
          tpu.wait_dma2 semaphore(%run_scoped3A : memref<!tpu.dma_semaphore, #tpu.memory_space<semaphore_mem>>) src(%dma_wait3A_120 : memref<4096xf32, #tpu.memory_space<vmem>>) dst(%dma_wait3A_118 : memref<4096xf32, #tpu.memory_space<hbm>>)
          tpu.yield
        }) : () -> ()
        %add3A_81 = arith.constant 2 : i32
        %add3A_82 = arith.addi %add3A_9, %add3A_81 : i32
        "tpu.region"() ({
          %run_scoped3A = tpu.sem_alloc : memref<!tpu.dma_semaphore, #tpu.memory_space<semaphore_mem>>
          %dma_start3A_85 = arith.constant 8192 : i32
          %dma_start3A_86 = tpu.memref_slice %arg10[%dma_start3A_85] : memref<16384xf32, #tpu.memory_space<vmem>> -> memref<4096xf32, #tpu.memory_space<vmem>>
          %dma_start3A_87 = arith.constant 0 : i32
          %dma_start3A_88 = arith.constant 0 : i32
          %dma_start3A_89 = tpu.memref_slice %arg5[%add3A_82, %dma_start3A_87, %dma_start3A_88] : memref<50x64x4096xf32, #tpu.memory_space<hbm>> -> memref<1x64x4096xf32, #tpu.memory_space<hbm>>
          %dma_start3A_90 = tpu.memref_squeeze %dma_start3A_89 : memref<1x64x4096xf32, #tpu.memory_space<hbm>> -> memref<64x4096xf32, #tpu.memory_space<hbm>>
          %dma_start3A_91 = arith.constant 0 : i32
          %dma_start3A_92 = tpu.memref_slice %dma_start3A_90[%add3A_43, %dma_start3A_91] : memref<64x4096xf32, #tpu.memory_space<hbm>> -> memref<1x4096xf32, #tpu.memory_space<hbm>>
          %dma_start3A_93 = tpu.memref_squeeze %dma_start3A_92 : memref<1x4096xf32, #tpu.memory_space<hbm>> -> memref<4096xf32, #tpu.memory_space<hbm>>
          %dma_start3A_94 = arith.constant 0 : i32
          %dma_start3A_95 = arith.constant 0 : i32
          %dma_start3A_96 = tpu.memref_slice %arg5[%add3A_82, %dma_start3A_94, %dma_start3A_95] : memref<50x64x4096xf32, #tpu.memory_space<hbm>> -> memref<1x64x4096xf32, #tpu.memory_space<hbm>>
          %dma_start3A_97 = tpu.memref_squeeze %dma_start3A_96 : memref<1x64x4096xf32, #tpu.memory_space<hbm>> -> memref<64x4096xf32, #tpu.memory_space<hbm>>
          %dma_start3A_98 = arith.constant 0 : i32
          %dma_start3A_99 = tpu.memref_slice %dma_start3A_97[%add3A_43, %dma_start3A_98] : memref<64x4096xf32, #tpu.memory_space<hbm>> -> memref<1x4096xf32, #tpu.memory_space<hbm>>
          %dma_start3A_100 = tpu.memref_squeeze %dma_start3A_99 : memref<1x4096xf32, #tpu.memory_space<hbm>> -> memref<4096xf32, #tpu.memory_space<hbm>>
          %dma_start3A_101 = arith.constant 8192 : i32
          %dma_start3A_102 = tpu.memref_slice %arg10[%dma_start3A_101] : memref<16384xf32, #tpu.memory_space<vmem>> -> memref<4096xf32, #tpu.memory_space<vmem>>
          tpu.enqueue_dma source(%dma_start3A_102 : memref<4096xf32, #tpu.memory_space<vmem>>) target(%dma_start3A_100 : memref<4096xf32, #tpu.memory_space<hbm>>) target_semaphore(%run_scoped3A : memref<!tpu.dma_semaphore, #tpu.memory_space<semaphore_mem>>)
          %dma_wait3A_103 = arith.constant 8192 : i32
          %dma_wait3A_104 = tpu.memref_slice %arg10[%dma_wait3A_103] : memref<16384xf32, #tpu.memory_space<vmem>> -> memref<4096xf32, #tpu.memory_space<vmem>>
          %dma_wait3A_105 = arith.constant 0 : i32
          %dma_wait3A_106 = arith.constant 0 : i32
          %dma_wait3A_107 = tpu.memref_slice %arg5[%add3A_82, %dma_wait3A_105, %dma_wait3A_106] : memref<50x64x4096xf32, #tpu.memory_space<hbm>> -> memref<1x64x4096xf32, #tpu.memory_space<hbm>>
          %dma_wait3A_108 = tpu.memref_squeeze %dma_wait3A_107 : memref<1x64x4096xf32, #tpu.memory_space<hbm>> -> memref<64x4096xf32, #tpu.memory_space<hbm>>
          %dma_wait3A_109 = arith.constant 0 : i32
          %dma_wait3A_110 = tpu.memref_slice %dma_wait3A_108[%add3A_43, %dma_wait3A_109] : memref<64x4096xf32, #tpu.memory_space<hbm>> -> memref<1x4096xf32, #tpu.memory_space<hbm>>
          %dma_wait3A_111 = tpu.memref_squeeze %dma_wait3A_110 : memref<1x4096xf32, #tpu.memory_space<hbm>> -> memref<4096xf32, #tpu.memory_space<hbm>>
          %dma_wait3A_112 = arith.constant 0 : i32
          %dma_wait3A_113 = arith.constant 0 : i32
          %dma_wait3A_114 = tpu.memref_slice %arg5[%add3A_82, %dma_wait3A_112, %dma_wait3A_113] : memref<50x64x4096xf32, #tpu.memory_space<hbm>> -> memref<1x64x4096xf32, #tpu.memory_space<hbm>>
          %dma_wait3A_115 = tpu.memref_squeeze %dma_wait3A_114 : memref<1x64x4096xf32, #tpu.memory_space<hbm>> -> memref<64x4096xf32, #tpu.memory_space<hbm>>
          %dma_wait3A_116 = arith.constant 0 : i32
          %dma_wait3A_117 = tpu.memref_slice %dma_wait3A_115[%add3A_43, %dma_wait3A_116] : memref<64x4096xf32, #tpu.memory_space<hbm>> -> memref<1x4096xf32, #tpu.memory_space<hbm>>
          %dma_wait3A_118 = tpu.memref_squeeze %dma_wait3A_117 : memref<1x4096xf32, #tpu.memory_space<hbm>> -> memref<4096xf32, #tpu.memory_space<hbm>>
          %dma_wait3A_119 = arith.constant 8192 : i32
          %dma_wait3A_120 = tpu.memref_slice %arg10[%dma_wait3A_119] : memref<16384xf32, #tpu.memory_space<vmem>> -> memref<4096xf32, #tpu.memory_space<vmem>>
          tpu.wait_dma2 semaphore(%run_scoped3A : memref<!tpu.dma_semaphore, #tpu.memory_space<semaphore_mem>>) src(%dma_wait3A_120 : memref<4096xf32, #tpu.memory_space<vmem>>) dst(%dma_wait3A_118 : memref<4096xf32, #tpu.memory_space<hbm>>)
          tpu.yield
        }) : () -> ()
        %add3A_83 = arith.constant 3 : i32
        %add3A_84 = arith.addi %add3A_9, %add3A_83 : i32
        "tpu.region"() ({
          %run_scoped3A = tpu.sem_alloc : memref<!tpu.dma_semaphore, #tpu.memory_space<semaphore_mem>>
          %dma_start3A_85 = arith.constant 12288 : i32
          %dma_start3A_86 = tpu.memref_slice %arg10[%dma_start3A_85] : memref<16384xf32, #tpu.memory_space<vmem>> -> memref<4096xf32, #tpu.memory_space<vmem>>
          %dma_start3A_87 = arith.constant 0 : i32
          %dma_start3A_88 = arith.constant 0 : i32
          %dma_start3A_89 = tpu.memref_slice %arg5[%add3A_84, %dma_start3A_87, %dma_start3A_88] : memref<50x64x4096xf32, #tpu.memory_space<hbm>> -> memref<1x64x4096xf32, #tpu.memory_space<hbm>>
          %dma_start3A_90 = tpu.memref_squeeze %dma_start3A_89 : memref<1x64x4096xf32, #tpu.memory_space<hbm>> -> memref<64x4096xf32, #tpu.memory_space<hbm>>
          %dma_start3A_91 = arith.constant 0 : i32
          %dma_start3A_92 = tpu.memref_slice %dma_start3A_90[%add3A_43, %dma_start3A_91] : memref<64x4096xf32, #tpu.memory_space<hbm>> -> memref<1x4096xf32, #tpu.memory_space<hbm>>
          %dma_start3A_93 = tpu.memref_squeeze %dma_start3A_92 : memref<1x4096xf32, #tpu.memory_space<hbm>> -> memref<4096xf32, #tpu.memory_space<hbm>>
          %dma_start3A_94 = arith.constant 0 : i32
          %dma_start3A_95 = arith.constant 0 : i32
          %dma_start3A_96 = tpu.memref_slice %arg5[%add3A_84, %dma_start3A_94, %dma_start3A_95] : memref<50x64x4096xf32, #tpu.memory_space<hbm>> -> memref<1x64x4096xf32, #tpu.memory_space<hbm>>
          %dma_start3A_97 = tpu.memref_squeeze %dma_start3A_96 : memref<1x64x4096xf32, #tpu.memory_space<hbm>> -> memref<64x4096xf32, #tpu.memory_space<hbm>>
          %dma_start3A_98 = arith.constant 0 : i32
          %dma_start3A_99 = tpu.memref_slice %dma_start3A_97[%add3A_43, %dma_start3A_98] : memref<64x4096xf32, #tpu.memory_space<hbm>> -> memref<1x4096xf32, #tpu.memory_space<hbm>>
          %dma_start3A_100 = tpu.memref_squeeze %dma_start3A_99 : memref<1x4096xf32, #tpu.memory_space<hbm>> -> memref<4096xf32, #tpu.memory_space<hbm>>
          %dma_start3A_101 = arith.constant 12288 : i32
          %dma_start3A_102 = tpu.memref_slice %arg10[%dma_start3A_101] : memref<16384xf32, #tpu.memory_space<vmem>> -> memref<4096xf32, #tpu.memory_space<vmem>>
          tpu.enqueue_dma source(%dma_start3A_102 : memref<4096xf32, #tpu.memory_space<vmem>>) target(%dma_start3A_100 : memref<4096xf32, #tpu.memory_space<hbm>>) target_semaphore(%run_scoped3A : memref<!tpu.dma_semaphore, #tpu.memory_space<semaphore_mem>>)
          %dma_wait3A_103 = arith.constant 12288 : i32
          %dma_wait3A_104 = tpu.memref_slice %arg10[%dma_wait3A_103] : memref<16384xf32, #tpu.memory_space<vmem>> -> memref<4096xf32, #tpu.memory_space<vmem>>
          %dma_wait3A_105 = arith.constant 0 : i32
          %dma_wait3A_106 = arith.constant 0 : i32
          %dma_wait3A_107 = tpu.memref_slice %arg5[%add3A_84, %dma_wait3A_105, %dma_wait3A_106] : memref<50x64x4096xf32, #tpu.memory_space<hbm>> -> memref<1x64x4096xf32, #tpu.memory_space<hbm>>
          %dma_wait3A_108 = tpu.memref_squeeze %dma_wait3A_107 : memref<1x64x4096xf32, #tpu.memory_space<hbm>> -> memref<64x4096xf32, #tpu.memory_space<hbm>>
          %dma_wait3A_109 = arith.constant 0 : i32
          %dma_wait3A_110 = tpu.memref_slice %dma_wait3A_108[%add3A_43, %dma_wait3A_109] : memref<64x4096xf32, #tpu.memory_space<hbm>> -> memref<1x4096xf32, #tpu.memory_space<hbm>>
          %dma_wait3A_111 = tpu.memref_squeeze %dma_wait3A_110 : memref<1x4096xf32, #tpu.memory_space<hbm>> -> memref<4096xf32, #tpu.memory_space<hbm>>
          %dma_wait3A_112 = arith.constant 0 : i32
          %dma_wait3A_113 = arith.constant 0 : i32
          %dma_wait3A_114 = tpu.memref_slice %arg5[%add3A_84, %dma_wait3A_112, %dma_wait3A_113] : memref<50x64x4096xf32, #tpu.memory_space<hbm>> -> memref<1x64x4096xf32, #tpu.memory_space<hbm>>
          %dma_wait3A_115 = tpu.memref_squeeze %dma_wait3A_114 : memref<1x64x4096xf32, #tpu.memory_space<hbm>> -> memref<64x4096xf32, #tpu.memory_space<hbm>>
          %dma_wait3A_116 = arith.constant 0 : i32
          %dma_wait3A_117 = tpu.memref_slice %dma_wait3A_115[%add3A_43, %dma_wait3A_116] : memref<64x4096xf32, #tpu.memory_space<hbm>> -> memref<1x4096xf32, #tpu.memory_space<hbm>>
          %dma_wait3A_118 = tpu.memref_squeeze %dma_wait3A_117 : memref<1x4096xf32, #tpu.memory_space<hbm>> -> memref<4096xf32, #tpu.memory_space<hbm>>
          %dma_wait3A_119 = arith.constant 12288 : i32
          %dma_wait3A_120 = tpu.memref_slice %arg10[%dma_wait3A_119] : memref<16384xf32, #tpu.memory_space<vmem>> -> memref<4096xf32, #tpu.memory_space<vmem>>
          tpu.wait_dma2 semaphore(%run_scoped3A : memref<!tpu.dma_semaphore, #tpu.memory_space<semaphore_mem>>) src(%dma_wait3A_120 : memref<4096xf32, #tpu.memory_space<vmem>>) dst(%dma_wait3A_118 : memref<4096xf32, #tpu.memory_space<hbm>>)
          tpu.yield
        }) : () -> ()
      } else {
      }
      %barrier3A_59 = arith.constant 0 : index
      tpu.barrier barrier_id(%barrier3A_59)
      %eq3A_60 = arith.constant 0 : i32
      %eq3A_61 = arith.cmpi eq, %arg1, %eq3A_60 : i32
      %lt3A_62 = arith.constant 31 : i32
      %lt3A_63 = arith.cmpi slt, %scan3A_42, %lt3A_62 : i32
      %and3A = arith.andi %eq3A_61, %lt3A_63 : i1
      %convert_element_type3A_64 = arith.extui %and3A : i1 to i32
      %cond3A_65 = arith.constant 0 : i32
      %cond3A_66 = arith.cmpi ne, %convert_element_type3A_64, %cond3A_65 : i32
      scf.if %cond3A_66 {
        %add3A_67 = arith.constant 1 : i32
        %add3A_68 = arith.addi %add3A_43, %add3A_67 : i32
        %dma_start3A = arith.constant 0 : i32
        %dma_start3A_69 = tpu.memref_slice %arg2[%add3A_68, %dma_start3A] : memref<64x1000000xf32, #tpu.memory_space<hbm>> -> memref<1x1000000xf32, #tpu.memory_space<hbm>>
        %dma_start3A_70 = tpu.memref_squeeze %dma_start3A_69 : memref<1x1000000xf32, #tpu.memory_space<hbm>> -> memref<1000000xf32, #tpu.memory_space<hbm>>
        tpu.enqueue_dma source(%dma_start3A_70 : memref<1000000xf32, #tpu.memory_space<hbm>>) target(%arg11 : memref<1000000xf32, #tpu.memory_space<vmem_shared>>) target_semaphore(%arg13 : memref<!tpu.dma_semaphore, #tpu.memory_space<semaphore_mem>>)
      } else {
      }
    }
    %scan3A_41 = arith.constant 32 : i32
    return
  }
}

</mosaic_0001>

<sc_bundles>
// kernel: kernel.3.cloned.1.call-start
scs
__scs_entry_jumppad:
0x0: {  	(pc) =	sbr.rel $0x88, $3  }
0x1: {  	(tag) =	ssettag $0x0;
	lr =	simm.s32 $0x1  }
0x2: {  	[smem:$0x3F9E] =	sst lr;
	_ =	strace $0xD0000000  }
0x3: {  	_ = 	snop  }
0x4: {  	_ = 	snop  }
0x5: {  	_ = 	snop  }
0x6: {  	_ = 	snop  }
0x7: {  	_ = 	snop  }
__scs_overlays_trampoline_lowered:
0x8: {  	[smem:$0x3FAD] =	sst s0  }
0x9: {  	[smem:$0x3FAE] =	sst s1  }
0xa: {  	[smem:$0x3FAF] =	sst s2  }
0xb: {  	[smem:$0x3FB0] =	sst s3  }
0xc: {  	[smem:$0x3FB1] =	sst s4  }
0xd: {  	[smem:$0x3FB2] =	sst s5  }
0xe: {  	[smem:$0x3FB3] =	sst s6  }
0xf: {  	[smem:$0x3FB4] =	sst s7  }
0x10: {  	[smem:$0x3FB5] =	sst s8  }
0x11: {  	[smem:$0x3FB6] =	sst s9;
	s0 =	simm.s32 @!p0 $0x0  }
0x12: {  	s1 =	sld [smem:$0x3F9C];
	s0 =	simm.s32 @p0 $0x1  }
0x13: {  	[smem:$0x3FB7] =	sst s0;
	s0 =	simm.s32 @!p1 $0x0  }
0x14: {  	s2 =	sld [smem:$0x3F9B];
	s0 =	simm.s32 @p1 $0x1  }
0x15: {  	[smem:$0x3FB8] =	sst s0;
	s0 =	simm.s32 @!p2 $0x0  }
0x16: {  	s3 =	sld [smem:$0x3FDB];
	s0 =	simm.s32 @p2 $0x1  }
0x17: {  	s4 =	simm.s32 $0x1BF5;
	[smem:$0x3FBA] =	sst s0  }
0x18: {  	s0 =	sld [smem:$0x3F9D];
	_ =	swait.ge [sflag:s4], $0x0  }
0x19: {  	s7 =	sld [smem:$0x3F9E]  }
0x1a: {  	s8 =	sadd.s32 $0xFFFFE003, lr  }
0x1b: {  	s9 =	sadd.s32 $0xFFFFFEF7, lr;
	s5 =	simm.s32 $0xFFFFFFFF;
	p2 =	slt.u32 s8, $0xFFFFF086  }
0x1c: {  	p1 =	slt.u32 s9, $0xF7A;
	s5 =	simm.s32 @!p2 $0x0  }
0x1d: {  	s5 =	simm.s32 @p1 $0x1;
	p0 =	seq.s32 s7, s2  }
0x1e: {  	s7 =	smul.u32 @!p0 $0xF7A, s2;
	p2 =	seq.s32 @!p0 s5, $0x0  }
0x1f: {  	s9 =	smul.u32 $0xF7A, s1;
	s8 =	simm.s32 @!p0 $0x1BF5;
	p2 =	por !p2, p0  }
0x20: {  	[sflag:s8] =	ssyncset.s32 @!p0 $0xFFFFF086;
	s6 =	sadd.s32 @!p0 s3, s7;
	s7 =	simm.s32 @!p0 $0x108  }
0x21: {  	s3 =	sadd.s32 s3, s9;
	s6 =	sadd.s32 @!p0 $0x88, s6;
	s7 =	simm.s32 @p2 $0x1082  }
0x22: {  	[simem:s7], [sflag:s8] =	dma.local @!p0 [hbm:s6], $0xF7A  }
0x23: {  	s9 =	sor.u32 $0xD0000000, s2;
	s6 =	simm.s32 $0x108;
	_ =	swait.ge @!p0 [sflag:s8], $0x0  }
0x24: {  	s3 =	sadd.s32 $0x88, s3;
	s6 =	simm.s32 @!p1 $0x1082;
	[sflag:s4] =	ssyncset.s32 $0xFFFFF086  }
0x25: {  	[simem:s6], [sflag:s4] =	dma.local [hbm:s3], $0xF7A  }
0x26: {  	[smem:$0x3F9E] =	sst s1;
	(tag) =	ssettag s2;
	_ =	strace s9  }
0x27: {  	s1 =	sld [smem:$0x3FAE]  }
0x28: {  	s2 =	sld [smem:$0x3FAF]  }
0x29: {  	s4 =	sld [smem:$0x3FB1]  }
0x2a: {  	p0 =	seq.s32 s5, $0x0;
	s5 =	sld [smem:$0x3FB2]  }
0x2b: {  	s6 =	sld [smem:$0x3FB3]  }
0x2c: {  	s7 =	sld [smem:$0x3FB4]  }
0x2d: {  	s3 =	simm.s32 $0x108;
	s8 =	sld [smem:$0x3FB5]  }
0x2e: {  	s3 =	simm.s32 @!p0 $0x1082;
	s9 =	sld [smem:$0x3FB6]  }
0x2f: {  	lr =	sadd.s32 s0, s3;
	s0 =	sld [smem:$0x3FAD]  }
0x30: {  	s3 =	sld [smem:$0x3FB0]  }
0x31: {  	[smem:$0x3FB9] =	sst s10  }
0x32: {  	s10 =	sld [smem:$0x3FB7];
	_ =	sdelay $0x3  }
0x33: {  	p0 =	seq.s32 s10, $0x1;
	s10 =	sld [smem:$0x3FB9];
	_ =	sdelay $0x3  }
0x34: {  	[smem:$0x3FB9] =	sst s10  }
0x35: {  	s10 =	sld [smem:$0x3FB8];
	_ =	sdelay $0x3  }
0x36: {  	p1 =	seq.s32 s10, $0x1;
	s10 =	sld [smem:$0x3FB9];
	_ =	sdelay $0x3  }
0x37: {  	[smem:$0x3FB9] =	sst s10  }
0x38: {  	s10 =	sld [smem:$0x3FBA]  }
0x39: {  	_ = 	snop;
	(pc) =	sbr.ind lr, $3  }
0x3a: {  	_ = 	snop  }
0x3b: {  	_ = 	snop  }
0x3c: {  	p2 =	seq.s32 s10, $0x1;
	s10 =	sld [smem:$0x3FB9]  }
0x3d: {  	_ =	shalt  }
0x3e: {  	_ =	shalt  }
0x3f: {  	_ =	shalt  }
0x40: {  	_ =	shalt  }
0x41: {  	_ =	shalt  }
0x42: {  	_ =	shalt  }
0x43: {  	_ =	shalt  }
0x44: {  	_ =	shalt  }
0x45: {  	_ =	shalt  }
0x46: {  	_ =	shalt  }
0x47: {  	_ =	shalt  }
0x48: {  	_ =	shalt  }
0x49: {  	_ =	shalt  }
0x4a: {  	_ =	shalt  }
0x4b: {  	_ =	shalt  }
0x4c: {  	_ =	shalt  }
0x4d: {  	_ =	shalt  }
0x4e: {  	_ =	shalt  }
0x4f: {  	_ =	shalt  }
0x50: {  	_ =	shalt  }
0x51: {  	_ =	shalt  }
0x52: {  	_ =	shalt  }
0x53: {  	_ =	shalt  }
0x54: {  	_ =	shalt  }
0x55: {  	_ =	shalt  }
0x56: {  	_ =	shalt  }
0x57: {  	_ =	shalt  }
0x58: {  	_ =	shalt  }
0x59: {  	_ =	shalt  }
0x5a: {  	_ =	shalt  }
0x5b: {  	_ =	shalt  }
0x5c: {  	_ =	shalt  }
0x5d: {  	_ =	shalt  }
0x5e: {  	_ =	shalt  }
0x5f: {  	_ =	shalt  }
0x60: {  	_ =	shalt  }
0x61: {  	_ =	shalt  }
0x62: {  	_ =	shalt  }
0x63: {  	_ =	shalt  }
0x64: {  	_ =	shalt  }
0x65: {  	_ =	shalt  }
0x66: {  	_ =	shalt  }
0x67: {  	_ =	shalt  }
0x68: {  	_ =	shalt  }
0x69: {  	_ =	shalt  }
0x6a: {  	_ =	shalt  }
0x6b: {  	_ =	shalt  }
0x6c: {  	_ =	shalt  }
0x6d: {  	_ =	shalt  }
0x6e: {  	_ =	shalt  }
0x6f: {  	_ =	shalt  }
0x70: {  	_ =	shalt  }
0x71: {  	_ =	shalt  }
0x72: {  	_ =	shalt  }
0x73: {  	_ =	shalt  }
0x74: {  	_ =	shalt  }
0x75: {  	_ =	shalt  }
0x76: {  	_ =	shalt  }
0x77: {  	_ =	shalt  }
0x78: {  	_ =	shalt  }
0x79: {  	_ =	shalt  }
0x7a: {  	_ =	shalt  }
0x7b: {  	_ =	shalt  }
0x7c: {  	_ =	shalt  }
0x7d: {  	_ =	shalt  }
0x7e: {  	_ =	shalt  }
0x7f: {  	_ =	shalt  }
0x80: {  	_ =	shalt  }
0x81: {  	_ =	shalt  }
0x82: {  	_ =	shalt  }
0x83: {  	_ =	shalt  }
0x84: {  	_ =	shalt  }
0x85: {  	_ =	shalt  }
0x86: {  	_ =	shalt  }
0x87: {  	_ =	shalt  }
.Lfunc_end0:
.L_simem_size_0:
called_computation_lowered:
.L_overlay_start_0:
0x88: {  	s2 =	sld [smem:$0x3FD9]  }
0x89: {  	s3 =	sld [smem:$0x3FFE];
	_ =	sdelay $0x1  }
0x8a: {  	s1 =	srdreg.scid  }
0x8b: {  	s0 =	sand.u32 $0x1, s1  }
0x8c: {  	s14 =	sshll.u32 s0, $0xA;
	s2 =	sadd.s32 s3, s2  }
0x8d: {  	s2 =	sadd.s32 s2, s14  }
0x8e: {  	[smem:$0x3FC5] =	sst s2  }
0x8f: {  	_ = 	snop  }
0x90: {  	s2 =	sld [smem:$0x3FD0];
	_ =	sdelay $0x2  }
0x91: {  	s4 =	simm.s32 $0xA;
	s5 =	simm.s32 $0x10;
	s15 =	sld [smem:$0x3FC7]  }
0x92: {  	[smem:s5], [sflag:s4] =	dma.local [hbm:s2], $0x1  }
0x93: {  	_ =	swait.eq [sflag:s4], $0x1  }
0x94: {  	[sflag:s4] =	ssyncset.done $0x0  }
0x95: {  	s16 =	sld [smem:$0x10];
	[sflag:s4] =	ssyncadd.s32 $0xFFFFFFFF  }
0x96: {  	s17 =	sld [smem:$0x11];
	(tm) =	ssettm $0x1  }
0x97: {  	s18 =	sld [smem:$0x3FFB];
	_ =	sdelay $0x3  }
0x98: {  	_ =	strace s18  }
0x99: {  	s5 =	sld [smem:$0x3FFC];
	_ =	sdelay $0x3  }
0x9a: {  	_ =	strace s5  }
0x9b: {  	s5 =	sld [smem:$0x3FFD];
	_ =	sdelay $0x3  }
0x9c: {  	_ =	strace s5  }
0x9d: {  	_ =	strace $0x8FFFFFFF  }
0x9e: {  	s19 =	sld [smem:$0x3FDB];
	_ =	sdelay $0x1  }
0x9f: {  	s6 =	simm.s32 $_scs_section_size  }
0xa0: {  	s7 =	simm.s32 $_size__tile_overlayer_lowered;
	s8 =	simm.s32 $_tile_overlayer_lowered  }
0xa1: {  	s22 =	simm.s32 $0x1BFF;
	s21 =	sshll.u32 s8, $0x1;
	s5 =	sadd.s32 s6, s19  }
0xa2: {  	s9 =	simm.s32 $0x0;
	s20 =	sshll.u32 s7, $0x1;
	s7 =	sadd.s32 s21, s5  }
0xa3: {  	[timem:s9], [sflag:s22] =	dma.local [hbm:s7], s20  }
0xa4: {  	_ =	swait.ge [sflag:s22], s20  }
0xa5: {  	s6 =	ssub.s32 $0x0, s20;
	[sflag:s22] =	ssyncset.done $0x0  }
0xa6: {  	[sflag:s22] =	ssyncadd.s32 s6;
	_ =	sdelay $0x1  }
0xa7: {  	s23 =	simm.s32 $0x1B8B  }
0xa8: {  	_ =	swait.ge [sflag:s23], $0x1  }
0xa9: {  	[sflag:s23] =	ssyncset.done $0x0  }
0xaa: {  	s25 =	simm.s32 $0x1B8E;
	s24 =	sld [smem:$0x3FFE];
	[sflag:s23] =	ssyncadd.s32 $0xFFFFFFFF  }
0xab: {  	s26 =	simm.s32 $execute0_lowered;
	[smem:$0x3FD2] =	sst s25  }
0xac: {  	s7 =	sshll.u32 s26, $0x1;
	_ =	strace $0x80000046;
	[dreg:$0x1] =	wrdreg $0xFFFFFFFF  }
0xad: {  	s28 =	simm.s32 $_size_execute0_lowered;
	s5 =	sadd.s32 s5, s7;
	[dreg:$0x0] =	wrdreg $0x0  }
0xae: {  	s7 =	sshll.u32 s28, $0x1;
	[dreg:$0x2] =	wrdreg s5  }
0xaf: {  	[dreg:$0x3] =	wrdreg s7  }
0xb0: {  	[dreg:$0x4] =	wrdreg $0xC0  }
0xb1: {  	_ =	task [dreg:s9], $0x5FFFF  }
0xb2: {  	[dreg:$0x1] =	wrdreg $0xFFFFFFFF  }
0xb3: {  	[dreg:$0x0] =	wrdreg $0x60  }
0xb4: {  	[dreg:$0x2] =	wrdreg s15  }
0xb5: {  	[dreg:$0x3] =	wrdreg s17  }
0xb6: {  	[dreg:$0x4] =	wrdreg s24  }
0xb7: {  	[dreg:$0x5] =	wrdreg s16  }
0xb8: {  	[dreg:$0x6] =	wrdreg $0xB2000  }
0xb9: {  	[dreg:$0x7] =	wrdreg $0x9  }
0xba: {  	_ =	task.clear_ibuf [dreg:s9], $0x8FFFF;
	_ =	strace $0x90000046  }
0xbb: {  	s29 =	simm.s32 $0x9;
	_ =	strace $0x80000048  }
0xbc: {  	_ =	swait.ge [sflag:s29], $0x1  }
0xbd: {  	[sflag:s29] =	ssyncadd.s32 $0xFFFFFFFF  }
0xbe: {  	_ =	strace $0x90000048  }
0xbf: {  	_ =	sfence  }
0xc0: {  	s30 =	sld [smem:$0x0];
	_ =	sdelay $0x2  }
0xc1: {  	s31 =	sshll.u32 s1, $0xD;
	s1 =	sshrl.u32 s1, $0x2  }
0xc2: {  	s3 =	sand.u32 $0x4000, s31;
	s1 =	sadd.s32 s1, s30  }
0xc3: {  	s0 =	sor.u32 s3, s0;
	s1 =	sshll.u32 s1, $0x11  }
0xc4: {  	s0 =	sor.u32 s1, s0  }
0xc5: {  	s0 =	sadd.s32 $0x8F2B, s0  }
0xc6: {  	[sflag:s0] =	ssyncadd.remote.s32 $0x1  }
0xc7: {  	_ =	sfence.sel $0xFFFF  }
0xc8: {  	[dreg:$0x0] =	wrdreg $0xFFFFFFFF;
	(pc) =	sbr.abs _section_cstart, $3  }
0xc9: {  	[dreg:$0x1] =	wrdreg $0xFFFFFFFF  }
0xca: {  	_ =	task.clear_ibuf [dreg:s9], $0x2FFFF;
	_ =	strace $0x9FFFFFFF  }
0xcb: {  	(tm) =	ssettm $0x7FFFFFFF  }
tec
execute0_lowered:
.L_overlay_start_1:
0x0: {  	(tag) =	ssettag $0x1  }
0x1: {  	s1 =	rddreg [dreg:$0x0]  }
0x2: {  	s2 =	rddreg [dreg:$0x1];
	s3 =	srdreg.scid  }
0x3: {  	s0 =	stileid.u32;
	s5 =	rddreg [dreg:$0x2]  }
0x4: {  	s7 =	rddreg [dreg:$0x3];
	s28 =	simm.s32 $0x7200;
	s29 =	simm.s32 $0x1  }
0x5: {  	s30 =	simm.s32 $0x80;
	s31 =	simm.s32 $0x400;
	s6 =	sand.u32 $0x1, s3  }
0x6: {  	s23 =	sshll.u32 s0, $0x1;
	s3 =	rddreg [dreg:$0x4];
	s11 =	smul.u32 $0x600, s0  }
0x7: {  	s10 =	sshll.u32 s0, $0x2;
	s13 =	smul.u32 $0xC0000, s0;
	s19 =	sshll.u32 s0, $0x14  }
0x8: {  	p0 =	slt.u32 s0, $0xE;
	s4 =	sor.u32 s6, s23;
	s24 =	ssub.s32 $0x2, s6  }
0x9: {  	s25 =	sadd.s32 $0xFFFFFFF2, s10;
	s26 =	smul.u32 $0x3D0A00, s6;
	s17 =	sshll.u32 s6, $0x5  }
0xa: {  	s20 =	sadd.s32 $0xFFCC0000, s19;
	s21 =	sadd.s32 $0xFFD00000, s19;
	p2 =	sne.s32 @p0 s0, $0x0  }
0xb: {  	s8 =	smul.u32 $0x1900, s4;
	s4 =	simm.s32 $0x0;
	s9 =	sshrl.u32 s24, $0x1  }
0xc: {  	s12 =	sshll.u32 s25, $0x9;
	s11 =	sadd.s32 s2, s11;
	s14 =	sshrl.u32 s13, $0x3  }
0xd: {  	s18 =	sshll.u32 s25, $0xF;
	s25 =	sshll.u32 s6, $0xC;
	p1 =	por p2, !p0  }
0xe: {  	p2 =	por !p2, !p0;
	[smem:$0x7FF] =	sst s4;
	s10 =	sadd.s32 s1, s26  }
0xf: {  	s16 =	sadd.s32 s7, s14;
	_ =	strace $0x80000047;
	[dreg:$0x6] =	wrdreg s11  }
0x10: {  	s26 =	sor.u32 $0x1, s17;
	s8 =	sshrl.u32 s8, $0x3;
	[dreg:$0x7] =	wrdreg s10  }
0x11: {  	s11 =	sand.u32 $0x1FFFFC00, s12;
	s12 =	smul.u32 $0x18000, s0;
	[dreg:$0xe] =	wrdreg s26  }
0x12: {  	s26 =	simm.s32 $0x3000;
	s5 =	sadd.s32 s8, s5;
	s8 =	ssub.s32 s24, s9  }
0x13: {  	s2 =	sadd.s32 s2, s11;
	s11 =	sadd.s32 $0x8000, s16;
	s9 =	sshrl.u32 s21, $0x3  }
0x14: {  	s24 =	sshll.u32 s6, $0xE;
	[dreg:$0x8] =	wrdreg s2;
	s15 =	sadd.s32 $0x1C00, s5  }
0x15: {  	s5 =	sadd.s32 $0x8000, s5;
	s10 =	sadd.s32 s7, s12;
	[dreg:$0xc] =	wrdreg s24  }
0x16: {  	s12 =	sadd.s32 $0x10000, s16;
	s2 =	sand.u32 $0x1FFF0000, s18;
	[dreg:$0x9] =	wrdreg s15  }
0x17: {  	s23 =	smax.u32 s8, $0x1;
	s24 =	simm.s32 $0x9200;
	[dreg:$0xa] =	wrdreg s5  }
0x18: {  	s13 =	sadd.s32 s7, s2;
	s2 =	sshrl.u32 s20, $0x3;
	s5 =	sadd.s32 $0xFFD40000, s19  }
.Ltmp0:
0x19: {  	s15 =	sadd.s32 s7, s9;
	[dreg:$0xb] =	wrdreg s23;
	(pc) =	sbr.rel .LBB2_1-.Ltmp0, $4  }
0x1a: {  	s23 =	simm.s32 $0x3;
	s14 =	sadd.s32 s7, s2;
	s22 =	sshrl.u32 s5, $0x3  }
0x1b: {  	s2 =	sor.u32 $0x80, s25;
	s25 =	simm.s32 $0x2;
	s5 =	simm.s32 $0xA200  }
0x1c: {  	s16 =	sadd.s32 s7, s22;
	[dreg:$0xd] =	wrdreg s2;
	s2 =	sshrl.u32 @!p1 s3, $0x3  }
0x1d: {  	v0 =	vimm.f32 $0.0e+00;
	s7 =	simm.s32 $0x0;
	[dreg:$0xf] =	wrdreg s2;
	s2 =	simm.s32 $0x8200  }
.LBB2_11:
0x1e: {  	s7 =	rddreg [dreg:$0x10]  }
0x1f: {  	s6 =	rddreg [dreg:$0xb];
	s7 =	sadd.s32 $0x1, s7  }
0x20: {  	p3 =	sne.s32 s7, s6  }
.Ltmp1:
0x21: {  	_ = 	snop;
	(pc) =	sbr.rel @!p3 .LBB2_12-.Ltmp1, $1  }
0x22: {  	_ =	sdelay $0x3  }
.LBB2_1:
0x23: {  	[dreg:$0x10] =	wrdreg s7  }
0x24: {  	s7 =	simm.s32 @p0 $0x0;
	s6 =	rddreg [dreg:$0x6]  }
0x25: {  	[tilespmem:s7], [sflag:$0x3] =	stream.linear.gather @p0 [hbm4b:s6+s7], $0x3000, $0x38;
	[tilespmem:$0x1A628] =	vst v63  }
0x26: {  	s7 =	simm.s32 @p0 $0x3  }
0x27: {  	s17 =	simm.s32 @!p1 $0x10;
	s18 =	simm.s32 @!p1 $0x80;
	_ =	swait.ge @p0 [sflag:s7], $0x3000  }
0x28: {  	s19 =	simm.s32 @!p1 $0x1C02;
	[sflag:s7] =	ssyncset.done @p0 $0x0;
	s6 =	rddreg [dreg:$0x7]  }
0x29: {  	s8 =	rddreg [dreg:$0xf];
	[sflag:s7] =	ssyncadd.s32 @p0 $0xFFFFD000;
	s7 =	simm.s32 @!p1 $0x1  }
0x2a: {  	[spmem:s8@s17], [sflag:s19] =	dma.strided @!p1 [hbm:s6@s18], $0x1E850, s7, $0x10   }
0x2b: {  	s7 =	simm.s32 @!p0 $0x0;
	s6 =	rddreg [dreg:$0x8]  }
0x2c: {  	[tilespmem:s7], [sflag:$0x3] =	stream.linear.gather @!p0 [hbm4b:s6+s7], $0x4000, $0x38;
	[tilespmem:$0x1A628] =	vst v63  }
0x2d: {  	s7 =	simm.s32 @!p0 $0x3  }
0x2e: {  	_ =	swait.ge @!p0 [sflag:s7], $0x4000  }
0x2f: {  	[sflag:s7] =	ssyncset.done @!p0 $0x0  }
0x30: {  	s22 =	simm.s32 $0x4000;
	s21 =	rddreg [dreg:$0x9];
	[sflag:s7] =	ssyncadd.s32 @!p0 $0xFFFFC000  }
0x31: {  	[tilespmem:s22], [sflag:$0x3] =	stream.linear.gather [hbm4b:s21+s4], $0x1900, $0x38;
	[tilespmem:$0x1A628] =	vst v63  }
0x32: {  	_ =	swait.ge [sflag:s23], $0x1900  }
0x33: {  	[sflag:s23] =	ssyncset.done $0x0  }
0x34: {  	s7 =	simm.s32 $0x0;
	[sflag:s23] =	ssyncadd.s32 $0xFFFFE700  }
0x35: {  	v1 =	vld [tilespmem:s7+$0x4030]  }
0x36: {  	v3 =	vld [tilespmem:s7+$0x4000]  }
0x37: {  	p4 =	por @p0 $0x0, $0x0;
	p3 =	por @!p1 $0x1, $0x1;
	v4 =	vld [tilespmem:s7+$0x4010]  }
0x38: {  	p3 =	por @!p2 p4, p4;
	p4 =	por @!p0 $0x0, $0x0;
	v2 =	vld [tilespmem:s7+$0x4020]  }
0x39: {  	p3 =	por @!p0 p4, p4;
	s17 =	simm.s32 $0x100  }
.LBB2_2:
0x3a: {  	s18 =	sshra.s32 s17, $0x2;
	p4 =	sne.s32 s17, $0x6300;
	s17 =	sadd.s32 $0x100, s17;
	vm0 =	veq.s32 v1, $0x2  }
.Ltmp2:
0x3b: {  	v1 =	vld [tilespmem:s18+$0x4030];
	vm1 =	veq.s32 v3, $0x2;
	v5 =	vsel vm0, $0x3F800000, v0;
	(pc) =	sbr.rel @p4 .LBB2_2-.Ltmp2, $4  }
0x3c: {  	v3 =	vld [tilespmem:s18+$0x4000];
	v6 =	vsel vm1, $0x3F800000, v0;
	vm0 =	veq.s32 v4, $0x2;
	[tilespmem:s7+$0x5930] =	vst v5  }
0x3d: {  	v4 =	vld [tilespmem:s18+$0x4010];
	[tilespmem:s7+$0x5900] =	vst v6;
	v5 =	vsel vm0, $0x3F800000, v0;
	vm0 =	veq.s32 v2, $0x2  }
0x3e: {  	v2 =	vld [tilespmem:s18+$0x4020];
	[tilespmem:s7+$0x5910] =	vst v5;
	v5 =	vsel vm0, $0x3F800000, v0  }
0x3f: {  	[tilespmem:s7+$0x5920] =	vst v5;
	s7 =	smov.u32 s18  }
0x40: {  	vm0 =	veq.s32 v1, $0x2  }
0x41: {  	vm1 =	veq.s32 v3, $0x2;
	v1 =	vsel vm0, $0x3F800000, v0  }
0x42: {  	v3 =	vsel vm1, $0x3F800000, v0;
	vm14 =	veq.s32 v4, $0x2;
	[tilespmem:s7+$0x5930] =	vst v1  }
0x43: {  	[tilespmem:s7+$0x5900] =	vst v3;
	v1 =	vsel vm14, $0x3F800000, v0;
	vm15 =	veq.s32 v2, $0x2  }
0x44: {  	[tilespmem:s7+$0x5910] =	vst v1;
	v1 =	vsel vm15, $0x3F800000, v0  }
0x45: {  	s6 =	rddreg [dreg:$0xa];
	s8 =	simm.s32 $0x5900;
	[tilespmem:s7+$0x5920] =	vst v1;
	s7 =	simm.s32 $0x0  }
0x46: {  	[hbm4b:s6+s7] =	stream.linear.scatter [tilespmem:s8], [sflag:$0x3], $0x1900, $0x38;
	[tilespmem:$0x1A628] =	vst v63  }
.Ltmp3:
0x47: {  	_ = 	snop;
	(pc) =	sbr.rel .LBB2_4-.Ltmp3, $4  }
0x48: {  	_ =	swait.ge [sflag:s23], $0x1900  }
0x49: {  	s20 =	rddreg [dreg:$0xe]  }
0x4a: {  	[sflag:s23] =	ssyncset.done $0x0;
	s19 =	rddreg [dreg:$0xd]  }
0x4b: {  	p4 =	por !p3, !p3;
	s18 =	rddreg [dreg:$0xc];
	[sflag:s23] =	ssyncadd.s32 $0xFFFFE700  }
.LBB2_8:
0x4c: {  	s17 =	sand.u32 $0x7000, s18;
	s9 =	sand.u32 $0x70, s7  }
0x4d: {  	s17 =	sor.u32 s9, s17  }
.LBB2_9:
0x4e: {  	s6 =	simm.s32 $0x4000  }
0x4f: {  	[tilespmem:s28], [sflag:$0x1] =	stream.indirect.gather [spmem:s3], $0x1, s4, s6, $0xb8;
	[tilespmem:$0x1A628] =	vst v63  }
0x50: {  	_ =	swait.ge [sflag:s29], $0x4000  }
0x51: {  	[sflag:s29] =	ssyncset.done $0x0  }
0x52: {  	s9 =	sadd.s32 s17, s13;
	[sflag:s29] =	ssyncadd.s32 $0xFFFFC000  }
0x53: {  	[hbm4b:s9+s30] =	stream.strided.scatter [tilespmem:s28], [sflag:$0x3], $0x1000, s31, s30, $0x38;
	[tilespmem:$0x1A628] =	vst v63  }
0x54: {  	_ =	swait.ge [sflag:s23], $0x1000  }
0x55: {  	[sflag:s23] =	ssyncset.done $0x0  }
0x56: {  	s8 =	sadd.s32 s17, s14;
	[sflag:s23] =	ssyncadd.s32 $0xFFFFF000  }
0x57: {  	[hbm4b:s8+s30] =	stream.strided.scatter [tilespmem:s2], [sflag:$0x3], $0x1000, s31, s30, $0x38;
	[tilespmem:$0x1A628] =	vst v63  }
0x58: {  	_ =	swait.ge [sflag:s23], $0x1000  }
0x59: {  	[sflag:s23] =	ssyncset.done $0x0  }
0x5a: {  	s21 =	sadd.s32 s17, s15;
	[sflag:s23] =	ssyncadd.s32 $0xFFFFF000  }
0x5b: {  	[hbm4b:s21+s30] =	stream.strided.scatter [tilespmem:s24], [sflag:$0x3], $0x1000, s31, s30, $0x38;
	[tilespmem:$0x1A628] =	vst v63  }
0x5c: {  	_ =	swait.ge [sflag:s23], $0x1000  }
0x5d: {  	[sflag:s23] =	ssyncset.done $0x0  }
0x5e: {  	s22 =	sadd.s32 s17, s16;
	[sflag:s23] =	ssyncadd.s32 $0xFFFFF000  }
0x5f: {  	[hbm4b:s22+s30] =	stream.strided.scatter [tilespmem:s5], [sflag:$0x3], $0x1000, s31, s30, $0x38;
	[tilespmem:$0x1A628] =	vst v63  }
0x60: {  	_ =	swait.ge [sflag:s23], $0x1000  }
0x61: {  	[sflag:s23] =	ssyncset.done $0x0  }
0x62: {  	[sflag:s23] =	ssyncadd.s32 $0xFFFFF000  }
.LBB2_10:
0x63: {  	p5 =	seq.s32 s7, $0x1F0  }
0x64: {  	p5 =	por p4, p5  }
0x65: {  	s9 =	sshrl.u32 @!p5 s20, $0x3  }
0x66: {  	s9 =	smul.u32 @!p5 $0x7A1400, s9  }
0x67: {  	[bflag:$0x0] =	sbarrier.arrive $0xFFFF;
	s7 =	sadd.s32 $0x10, s7;
	s17 =	sand.u32 @!p5 $0x380, s19  }
0x68: {  	s21 =	sshrl.u32 @!p5 s3, $0x3;
	s8 =	simm.s32 @!p5 $0x1;
	s9 =	sor.u32 @!p5 s17, s9  }
0x69: {  	s6 =	simm.s32 @!p5 $0x10;
	s17 =	sshll.u32 @!p5 s0, $0x6;
	s9 =	sshrl.u32 @!p5 s9, $0x3  }
0x6a: {  	s22 =	simm.s32 @!p5 $0x80;
	s17 =	sor.u32 @!p5 $0x1C02, s17;
	s9 =	sadd.s32 @!p5 s1, s9  }
0x6b: {  	[spmem:s21@s6], [sflag:s17] =	dma.strided @!p5 [hbm:s9@s22], $0x1E850, s8, $0x10   }
0x6c: {  	p5 =	sne.s32 s7, $0x200  }
.Ltmp4:
0x6d: {  	_ = 	snop;
	(pc) =	sbr.rel @!p5 .LBB2_11-.Ltmp4, $2  }
0x6e: {  	_ =	sdelay $0x2  }
0x6f: {  	s18 =	sadd.s32 $0x200, s18;
	s19 =	sadd.s32 $0x80, s19;
	s20 =	sadd.s32 $0x1, s20  }
.LBB2_4:
.Ltmp5:
0x70: {  	(pc) =	sbr.rel @!p3 .LBB2_7-.Ltmp5, $1  }
0x71: {  	_ =	sdelay $0x3  }
.Ltmp6:
0x72: {  	_ =	swait.ge [sflag:s25], $0x1E850;
	(pc) =	sbr.rel .LBB2_6-.Ltmp6, $3  }
0x73: {  	[sflag:s25] =	ssyncset.done $0x0  }
0x74: {  	[sflag:s25] =	ssyncadd.s32 $0xFFFE17B0  }
0x75: {  	[bflag:$0x0] =	sbarrier.arrive $0xFFFF;
	_ =	sdelay $0x1  }
.LBB2_7:
.Ltmp7:
0x76: {  	(pc) =	sbr.rel @!p0 .LBB2_8-.Ltmp7, $2  }
0x77: {  	_ =	sdelay $0x1  }
0x78: {  	[bflag:$0x0] =	sbarrier.arrive $0xFFFF;
	_ =	sdelay $0x1  }
.LBB2_6:
0x79: {  	[tilespmem:s28], [sflag:$0x1] =	stream.indirect.gather [spmem:s3], $0x1, s4, s26, $0xb8;
	[tilespmem:$0x1A628] =	vst v63  }
0x7a: {  	s9 =	sand.u32 $0x7000, s18;
	s17 =	sand.u32 $0x70, s7;
	_ =	swait.ge [sflag:s29], $0x3000  }
0x7b: {  	s17 =	sor.u32 s17, s9;
	[sflag:s29] =	ssyncset.done $0x0  }
0x7c: {  	s9 =	sadd.s32 s17, s10;
	[sflag:s29] =	ssyncadd.s32 $0xFFFFD000  }
0x7d: {  	[hbm4b:s9+s30] =	stream.strided.scatter [tilespmem:s28], [sflag:$0x3], $0x1000, s31, s30, $0x38;
	[tilespmem:$0x1A628] =	vst v63  }
0x7e: {  	_ =	swait.ge [sflag:s23], $0x1000  }
0x7f: {  	[sflag:s23] =	ssyncset.done $0x0  }
0x80: {  	s21 =	sadd.s32 s17, s11;
	[sflag:s23] =	ssyncadd.s32 $0xFFFFF000  }
0x81: {  	[hbm4b:s21+s30] =	stream.strided.scatter [tilespmem:s2], [sflag:$0x3], $0x1000, s31, s30, $0x38;
	[tilespmem:$0x1A628] =	vst v63  }
0x82: {  	_ =	swait.ge [sflag:s23], $0x1000  }
0x83: {  	[sflag:s23] =	ssyncset.done $0x0  }
0x84: {  	s22 =	sadd.s32 s17, s12;
	[sflag:s23] =	ssyncadd.s32 $0xFFFFF000  }
0x85: {  	[hbm4b:s22+s30] =	stream.strided.scatter [tilespmem:s24], [sflag:$0x3], $0x1000, s31, s30, $0x38;
	[tilespmem:$0x1A628] =	vst v63  }
.Ltmp8:
0x86: {  	_ = 	snop;
	(pc) =	sbr.rel @p0 .LBB2_10-.Ltmp8, $4  }
.Ltmp9:
0x87: {  	_ = 	snop;
	(pc) =	sbr.rel @!p0 .LBB2_9-.Ltmp9, $4  }
0x88: {  	_ =	swait.ge [sflag:s23], $0x1000  }
0x89: {  	[sflag:s23] =	ssyncset.done $0x0  }
0x8a: {  	[sflag:s23] =	ssyncadd.s32 $0xFFFFF000  }
0x8b: {  	_ = 	snop  }
.LBB2_12:
0x8c: {  	_ =	sfence.sel $0x180000  }
0x8d: {  	[bflag:$0x0] =	sbarrier.arrive $0xFFFF  }
0x8e: {  	_ =	strace $0x90000047  }
0x8f: {  	[bflag:$0x2] =	sbarrier.arrive $0xFFFF  }
0x90: {  	p0 =	sne.s32 s0, $0x0;
	s0 =	rddreg [dreg:$0x5]  }
0x91: {  	s0 =	sadd.s32 @!p0 $0x100000, s0  }
0x92: {  	[sflag:s0] =	ssyncadd.tile.s32 @!p0 $0x1;
	_ =	shalt  }
.Lfunc_end2:
_tile_overlayer_lowered:
.L_overlay_start_2:
0x93: {  	(tag) =	ssettag $0x2  }
0x94: {  	s0 =	rddreg [dreg:$0x0];
	s2 =	stileid.u32  }
0x95: {  	s1 =	rddreg [dreg:$0x1];
	p0 =	sne.s32 s2, $0x0  }
0x96: {  	s3 =	rddreg [dreg:$0x2];
	[bflag:$0x3] =	sbarrier.arrive $0xFFFF;
	s2 =	simm.s32 @!p0 $0x1C03  }
0x97: {  	[timem:s3], [sflag:s2] =	dma.local @!p0 [hbm:s0], s1  }
0x98: {  	s0 =	simm.s32 @!p0 $0x3  }
0x99: {  	_ =	swait.ge @!p0 [sflag:s0], s1  }
0x9a: {  	s1 =	ssub.s32 @!p0 $0x0, s1;
	[sflag:s0] =	ssyncset.done @!p0 $0x0  }
0x9b: {  	[sflag:s0] =	ssyncadd.s32 @!p0 s1  }
0x9c: {  	[bflag:$0x3] =	sbarrier.arrive $0xFFFF  }
0x9d: {  	_ =	shalt  }

</sc_bundles>
